<compile_context>
chip_gen: v7x
topology: tpu7x:2x2x1
jax: 0.10.2.dev20260603
libtpu: 0.0.44.dev20260713+nightly
codegen_flags: <defaults>
</compile_context>

<pallas_src>
import functools

import jax
import jax.numpy as jnp
from jax import lax
from jax.experimental import pallas as pl
from jax.experimental.pallas import tpu as pltpu
from jax.experimental.pallas import tpu_sc as plsc

_NC = 2
_NS = 16
_NW = _NC * _NS
_LANES = 16


@functools.partial(jax.jit, static_argnames=("batch",))
def _irt_sc(skills, ability16, difficulty, discrimination, *, batch):
    b_per_w = batch // _NW
    half = b_per_w // 2
    mesh = plsc.VectorSubcoreMesh(
        core_axis_name="c", subcore_axis_name="s",
        num_cores=_NC, num_subcores=_NS)

    @functools.partial(
        pl.kernel,
        out_type=jax.ShapeDtypeStruct((batch,), jnp.float32),
        mesh=mesh,
        scratch_types=[
            pltpu.VMEM((b_per_w,), jnp.int32),
            pltpu.VMEM((b_per_w,), jnp.float32),
            pltpu.VMEM((b_per_w,), jnp.float32),
            pltpu.VMEM((_LANES,), jnp.float32),
            pltpu.SemaphoreType.DMA,
            pltpu.SemaphoreType.DMA,
            pltpu.SemaphoreType.DMA,
        ],
    )
    def k(skills_hbm, ab_hbm, diff_hbm, disc_hbm, out_hbm,
          idx_v, diff_v, disc_v, ab_v, sem0, sem1, semo):
        wid = lax.axis_index("s") * _NC + lax.axis_index("c")
        base = wid * b_per_w
        lo = pl.ds(0, half)
        hi = pl.ds(half, half)
        pltpu.sync_copy(skills_hbm.at[pl.ds(base, half)], idx_v.at[lo])
        cp0 = [
            pltpu.async_copy(diff_hbm.at[idx_v.at[lo]], diff_v.at[lo], sem0),
            pltpu.async_copy(disc_hbm.at[idx_v.at[lo]], disc_v.at[lo], sem0),
        ]
        pltpu.sync_copy(skills_hbm.at[pl.ds(base + half, half)], idx_v.at[hi])
        cp1 = [
            pltpu.async_copy(diff_hbm.at[idx_v.at[hi]], diff_v.at[hi], sem1),
            pltpu.async_copy(disc_hbm.at[idx_v.at[hi]], disc_v.at[hi], sem1),
        ]
        pltpu.sync_copy(ab_hbm, ab_v)
        a = ab_v[:]
        for cp in cp0:
            cp.wait()
        for i in range(half // _LANES):
            sl = pl.ds(i * _LANES, _LANES)
            x = disc_v[sl] * (a - diff_v[sl])
            diff_v[sl] = 1.0 / (1.0 + jnp.exp(-x))
        wr0 = pltpu.async_copy(
            diff_v.at[lo], out_hbm.at[pl.ds(base, half)], semo)
        for cp in cp1:
            cp.wait()
        for i in range(half // _LANES, b_per_w // _LANES):
            sl = pl.ds(i * _LANES, _LANES)
            x = disc_v[sl] * (a - diff_v[sl])
            diff_v[sl] = 1.0 / (1.0 + jnp.exp(-x))
        wr1 = pltpu.async_copy(
            diff_v.at[hi], out_hbm.at[pl.ds(base + half, half)], semo)
        wr0.wait()
        wr1.wait()

    return k(skills, ability16, difficulty, discrimination)


def kernel(skills, ability_table, difficulty_table, discrimination_table):
    batch = skills.shape[0]
    if skills.dtype != jnp.int32:
        skills = skills.astype(jnp.int32)
    ability16 = jnp.broadcast_to(ability_table.reshape(()), (_LANES,))
    diff = difficulty_table.reshape(-1)
    disc = discrimination_table.reshape(-1)
    out = _irt_sc(skills, ability16, diff, disc, batch=batch)
    return out.reshape(batch, 1)

# --- scband reference (transcript-rebuilt; emitter-appended) ---
"""Pipeline reference for scband-irtmodule-77455440216160 (READ-ONLY COPY).

The authoritative reference and input builder live on the scoring server;
editing this copy changes nothing except your own understanding.
"""

import jax, jax.numpy as jnp
import numpy as np

NUM_SKILLS = 100000
BATCH = 16384

def setup_inputs(seed: int = 0) -> dict:
    key = jax.random.key(seed)
    k1, k2, k3, k4 = jax.random.split(key, 4)
    skills = jax.random.randint(k1, (BATCH,), 0, NUM_SKILLS, dtype=jnp.int64 if jax.config.read('jax_enable_x64') else jnp.int32)
    ability_table = jax.random.normal(k2, (1, 1), dtype=jnp.float32)
    difficulty_table = jax.random.normal(k3, (NUM_SKILLS, 1), dtype=jnp.float32)
    discrimination_table = jax.random.normal(k4, (NUM_SKILLS, 1), dtype=jnp.float32)
    return {
        'skills': skills,
        'ability_table': ability_table,
        'difficulty_table': difficulty_table,
        'discrimination_table': discrimination_table,
    }

def reference(skills, ability_table, difficulty_table, discrimination_table):
    # ability: lookup index 0 for every element in the batch -> [B, 1]
    zeros_idx = jnp.zeros((skills.shape[0],), dtype=skills.dtype)
    ability = jnp.take(ability_table, zeros_idx, axis=0)          # [B, 1]
    difficulty = jnp.take(difficulty_table, skills, axis=0)       # [B, 1]
    discrimination = jnp.take(discrimination_table, skills, axis=0)  # [B, 1]
    logits = discrimination * (ability - difficulty)
    prob = jax.nn.sigmoid(logits)
    return prob

if __name__ == "__main__":
    import jax
    _d = setup_inputs()
    print(jax.jit(kernel)(*tuple(_d.values())))

</pallas_src>

<mosaic_0001>
#map = affine_map<(d0, d1) -> (0)>
module attributes {stable_mosaic.version = 14 : i64} {
  func.func @k(%arg0: i32, %arg1: i32, %arg2: memref<16384xi32, #tpu.memory_space<hbm>>, %arg3: memref<16xf32, #tpu.memory_space<hbm>>, %arg4: memref<100000xf32, #tpu.memory_space<hbm>>, %arg5: memref<100000xf32, #tpu.memory_space<hbm>>, %arg6: memref<16384xf32, #tpu.memory_space<hbm>>, %arg7: memref<512xi32, #tpu.memory_space<vmem>>, %arg8: memref<512xf32, #tpu.memory_space<vmem>>, %arg9: memref<512xf32, #tpu.memory_space<vmem>>, %arg10: memref<16xf32, #tpu.memory_space<vmem>>, %arg11: memref<!tpu.dma_semaphore, #tpu.memory_space<semaphore_mem>>, %arg12: memref<!tpu.dma_semaphore, #tpu.memory_space<semaphore_mem>>, %arg13: memref<!tpu.dma_semaphore, #tpu.memory_space<semaphore_mem>>) attributes {dimension_semantics = [#tpu.dimension_semantics<core_parallel>, #tpu.dimension_semantics<subcore_parallel>], iteration_bounds = array<i64: 2, 16>, scalar_prefetch = 0 : i64, scratch_operands = 7 : i64, tpu.core_type = #tpu.core_type<sc_vector_subcore>, window_params = [{transform_indices = #map}, {transform_indices = #map}, {transform_indices = #map}, {transform_indices = #map}, {transform_indices = #map}]} {
    %mul3A = arith.constant 2 : i32
    %mul3A_0 = arith.muli %arg1, %mul3A : i32
    %add3A = arith.addi %mul3A_0, %arg0 : i32
    %mul3A_1 = arith.constant 512 : i32
    %mul3A_2 = arith.muli %add3A, %mul3A_1 : i32
    "tpu.region"() ({
      %run_scoped3A = tpu.sem_alloc : memref<!tpu.dma_semaphore, #tpu.memory_space<semaphore_mem>>
      %dma_start3A_778 = arith.constant 0 : i32
      %dma_start3A_779 = tpu.memref_slice %arg7[%dma_start3A_778] : memref<512xi32, #tpu.memory_space<vmem>> -> memref<256xi32, #tpu.memory_space<vmem>>
      %dma_start3A_780 = tpu.memref_slice %arg2[%mul3A_2] : memref<16384xi32, #tpu.memory_space<hbm>> -> memref<256xi32, #tpu.memory_space<hbm>>
      %dma_start3A_781 = arith.constant 0 : i32
      %dma_start3A_782 = tpu.memref_slice %arg7[%dma_start3A_781] : memref<512xi32, #tpu.memory_space<vmem>> -> memref<256xi32, #tpu.memory_space<vmem>>
      %dma_start3A_783 = tpu.memref_slice %arg2[%mul3A_2] : memref<16384xi32, #tpu.memory_space<hbm>> -> memref<256xi32, #tpu.memory_space<hbm>>
      tpu.enqueue_dma source(%dma_start3A_783 : memref<256xi32, #tpu.memory_space<hbm>>) target(%dma_start3A_782 : memref<256xi32, #tpu.memory_space<vmem>>) target_semaphore(%run_scoped3A : memref<!tpu.dma_semaphore, #tpu.memory_space<semaphore_mem>>)
      %dma_wait3A_784 = arith.constant 0 : i32
      %dma_wait3A_785 = tpu.memref_slice %arg7[%dma_wait3A_784] : memref<512xi32, #tpu.memory_space<vmem>> -> memref<256xi32, #tpu.memory_space<vmem>>
      %dma_wait3A_786 = tpu.memref_slice %arg2[%mul3A_2] : memref<16384xi32, #tpu.memory_space<hbm>> -> memref<256xi32, #tpu.memory_space<hbm>>
      %dma_wait3A_787 = arith.constant 0 : i32
      %dma_wait3A_788 = tpu.memref_slice %arg7[%dma_wait3A_787] : memref<512xi32, #tpu.memory_space<vmem>> -> memref<256xi32, #tpu.memory_space<vmem>>
      %dma_wait3A_789 = tpu.memref_slice %arg2[%mul3A_2] : memref<16384xi32, #tpu.memory_space<hbm>> -> memref<256xi32, #tpu.memory_space<hbm>>
      tpu.wait_dma2 semaphore(%run_scoped3A : memref<!tpu.dma_semaphore, #tpu.memory_space<semaphore_mem>>) src(%dma_wait3A_789 : memref<256xi32, #tpu.memory_space<hbm>>) dst(%dma_wait3A_788 : memref<256xi32, #tpu.memory_space<vmem>>)
      tpu.yield
    }) : () -> ()
    %dma_start3A = arith.constant 0 : i32
    %dma_start3A_3 = tpu.memref_slice %arg8[%dma_start3A] : memref<512xf32, #tpu.memory_space<vmem>> -> memref<256xf32, #tpu.memory_space<vmem>>
    %dma_start3A_4 = arith.constant 0 : i32
    %dma_start3A_5 = tpu.memref_slice %arg7[%dma_start3A_4] : memref<512xi32, #tpu.memory_space<vmem>> -> memref<256xi32, #tpu.memory_space<vmem>>
    %dma_start3A_6 = arith.constant 0 : i32
    %dma_start3A_7 = tpu.memref_slice %arg4[%dma_start3A_6] : memref<100000xf32, #tpu.memory_space<hbm>> -> memref<100000xf32, #tpu.memory_space<hbm>>
    tpu.enqueue_indirect_dma source(%dma_start3A_7 : memref<100000xf32, #tpu.memory_space<hbm>>) target(%dma_start3A_3 : memref<256xf32, #tpu.memory_space<vmem>>) offsets(%dma_start3A_5 : memref<256xi32, #tpu.memory_space<vmem>>) semaphore(%arg11 : memref<!tpu.dma_semaphore, #tpu.memory_space<semaphore_mem>>)
    %dma_start3A_8 = arith.constant 0 : i32
    %dma_start3A_9 = tpu.memref_slice %arg9[%dma_start3A_8] : memref<512xf32, #tpu.memory_space<vmem>> -> memref<256xf32, #tpu.memory_space<vmem>>
    %dma_start3A_10 = arith.constant 0 : i32
    %dma_start3A_11 = tpu.memref_slice %arg7[%dma_start3A_10] : memref<512xi32, #tpu.memory_space<vmem>> -> memref<256xi32, #tpu.memory_space<vmem>>
    %dma_start3A_12 = arith.constant 0 : i32
    %dma_start3A_13 = tpu.memref_slice %arg5[%dma_start3A_12] : memref<100000xf32, #tpu.memory_space<hbm>> -> memref<100000xf32, #tpu.memory_space<hbm>>
    tpu.enqueue_indirect_dma source(%dma_start3A_13 : memref<100000xf32, #tpu.memory_space<hbm>>) target(%dma_start3A_9 : memref<256xf32, #tpu.memory_space<vmem>>) offsets(%dma_start3A_11 : memref<256xi32, #tpu.memory_space<vmem>>) semaphore(%arg11 : memref<!tpu.dma_semaphore, #tpu.memory_space<semaphore_mem>>)
    %add3A_14 = arith.constant 256 : i32
    %add3A_15 = arith.addi %mul3A_2, %add3A_14 : i32
    "tpu.region"() ({
      %run_scoped3A = tpu.sem_alloc : memref<!tpu.dma_semaphore, #tpu.memory_space<semaphore_mem>>
      %dma_start3A_778 = arith.constant 256 : i32
      %dma_start3A_779 = tpu.memref_slice %arg7[%dma_start3A_778] : memref<512xi32, #tpu.memory_space<vmem>> -> memref<256xi32, #tpu.memory_space<vmem>>
      %dma_start3A_780 = tpu.memref_slice %arg2[%add3A_15] : memref<16384xi32, #tpu.memory_space<hbm>> -> memref<256xi32, #tpu.memory_space<hbm>>
      %dma_start3A_781 = arith.constant 256 : i32
      %dma_start3A_782 = tpu.memref_slice %arg7[%dma_start3A_781] : memref<512xi32, #tpu.memory_space<vmem>> -> memref<256xi32, #tpu.memory_space<vmem>>
      %dma_start3A_783 = tpu.memref_slice %arg2[%add3A_15] : memref<16384xi32, #tpu.memory_space<hbm>> -> memref<256xi32, #tpu.memory_space<hbm>>
      tpu.enqueue_dma source(%dma_start3A_783 : memref<256xi32, #tpu.memory_space<hbm>>) target(%dma_start3A_782 : memref<256xi32, #tpu.memory_space<vmem>>) target_semaphore(%run_scoped3A : memref<!tpu.dma_semaphore, #tpu.memory_space<semaphore_mem>>)
      %dma_wait3A_784 = arith.constant 256 : i32
      %dma_wait3A_785 = tpu.memref_slice %arg7[%dma_wait3A_784] : memref<512xi32, #tpu.memory_space<vmem>> -> memref<256xi32, #tpu.memory_space<vmem>>
      %dma_wait3A_786 = tpu.memref_slice %arg2[%add3A_15] : memref<16384xi32, #tpu.memory_space<hbm>> -> memref<256xi32, #tpu.memory_space<hbm>>
      %dma_wait3A_787 = arith.constant 256 : i32
      %dma_wait3A_788 = tpu.memref_slice %arg7[%dma_wait3A_787] : memref<512xi32, #tpu.memory_space<vmem>> -> memref<256xi32, #tpu.memory_space<vmem>>
      %dma_wait3A_789 = tpu.memref_slice %arg2[%add3A_15] : memref<16384xi32, #tpu.memory_space<hbm>> -> memref<256xi32, #tpu.memory_space<hbm>>
      tpu.wait_dma2 semaphore(%run_scoped3A : memref<!tpu.dma_semaphore, #tpu.memory_space<semaphore_mem>>) src(%dma_wait3A_789 : memref<256xi32, #tpu.memory_space<hbm>>) dst(%dma_wait3A_788 : memref<256xi32, #tpu.memory_space<vmem>>)
      tpu.yield
    }) : () -> ()
    %dma_start3A_16 = arith.constant 256 : i32
    %dma_start3A_17 = tpu.memref_slice %arg8[%dma_start3A_16] : memref<512xf32, #tpu.memory_space<vmem>> -> memref<256xf32, #tpu.memory_space<vmem>>
    %dma_start3A_18 = arith.constant 256 : i32
    %dma_start3A_19 = tpu.memref_slice %arg7[%dma_start3A_18] : memref<512xi32, #tpu.memory_space<vmem>> -> memref<256xi32, #tpu.memory_space<vmem>>
    %dma_start3A_20 = arith.constant 0 : i32
    %dma_start3A_21 = tpu.memref_slice %arg4[%dma_start3A_20] : memref<100000xf32, #tpu.memory_space<hbm>> -> memref<100000xf32, #tpu.memory_space<hbm>>
    tpu.enqueue_indirect_dma source(%dma_start3A_21 : memref<100000xf32, #tpu.memory_space<hbm>>) target(%dma_start3A_17 : memref<256xf32, #tpu.memory_space<vmem>>) offsets(%dma_start3A_19 : memref<256xi32, #tpu.memory_space<vmem>>) semaphore(%arg12 : memref<!tpu.dma_semaphore, #tpu.memory_space<semaphore_mem>>)
    %dma_start3A_22 = arith.constant 256 : i32
    %dma_start3A_23 = tpu.memref_slice %arg9[%dma_start3A_22] : memref<512xf32, #tpu.memory_space<vmem>> -> memref<256xf32, #tpu.memory_space<vmem>>
    %dma_start3A_24 = arith.constant 256 : i32
    %dma_start3A_25 = tpu.memref_slice %arg7[%dma_start3A_24] : memref<512xi32, #tpu.memory_space<vmem>> -> memref<256xi32, #tpu.memory_space<vmem>>
    %dma_start3A_26 = arith.constant 0 : i32
    %dma_start3A_27 = tpu.memref_slice %arg5[%dma_start3A_26] : memref<100000xf32, #tpu.memory_space<hbm>> -> memref<100000xf32, #tpu.memory_space<hbm>>
    tpu.enqueue_indirect_dma source(%dma_start3A_27 : memref<100000xf32, #tpu.memory_space<hbm>>) target(%dma_start3A_23 : memref<256xf32, #tpu.memory_space<vmem>>) offsets(%dma_start3A_25 : memref<256xi32, #tpu.memory_space<vmem>>) semaphore(%arg12 : memref<!tpu.dma_semaphore, #tpu.memory_space<semaphore_mem>>)
    "tpu.region"() ({
      %run_scoped3A = tpu.sem_alloc : memref<!tpu.dma_semaphore, #tpu.memory_space<semaphore_mem>>
      tpu.enqueue_dma source(%arg3 : memref<16xf32, #tpu.memory_space<hbm>>) target(%arg10 : memref<16xf32, #tpu.memory_space<vmem>>) target_semaphore(%run_scoped3A : memref<!tpu.dma_semaphore, #tpu.memory_space<semaphore_mem>>)
      tpu.wait_dma2 semaphore(%run_scoped3A : memref<!tpu.dma_semaphore, #tpu.memory_space<semaphore_mem>>) src(%arg3 : memref<16xf32, #tpu.memory_space<hbm>>) dst(%arg10 : memref<16xf32, #tpu.memory_space<vmem>>)
      tpu.yield
    }) : () -> ()
    %get3A = arith.constant 0 : index
    %get3A_28 = tpu.vector_load %arg10[%get3A] {strides = array<i32>} : memref<16xf32, #tpu.memory_space<vmem>>, vector<16xf32>,
    %get3A_29 = vector.shape_cast %get3A_28 : vector<16xf32> to vector<16xf32>
    %dma_wait3A = arith.constant 0 : i32
    %dma_wait3A_30 = tpu.memref_slice %arg8[%dma_wait3A] : memref<512xf32, #tpu.memory_space<vmem>> -> memref<256xf32, #tpu.memory_space<vmem>>
    %dma_wait3A_31 = arith.constant 0 : i32
    %dma_wait3A_32 = tpu.memref_slice %arg7[%dma_wait3A_31] : memref<512xi32, #tpu.memory_space<vmem>> -> memref<256xi32, #tpu.memory_space<vmem>>
    %dma_wait3A_33 = arith.constant 0 : i32
    %dma_wait3A_34 = tpu.memref_slice %arg4[%dma_wait3A_33] : memref<100000xf32, #tpu.memory_space<hbm>> -> memref<100000xf32, #tpu.memory_space<hbm>>
    tpu.wait_indirect_dma semaphore(%arg11 : memref<!tpu.dma_semaphore, #tpu.memory_space<semaphore_mem>>) src(%dma_wait3A_34 : memref<100000xf32, #tpu.memory_space<hbm>>) dst(%dma_wait3A_30 : memref<256xf32, #tpu.memory_space<vmem>>)
    %dma_wait3A_35 = arith.constant 0 : i32
    %dma_wait3A_36 = tpu.memref_slice %arg9[%dma_wait3A_35] : memref<512xf32, #tpu.memory_space<vmem>> -> memref<256xf32, #tpu.memory_space<vmem>>
    %dma_wait3A_37 = arith.constant 0 : i32
    %dma_wait3A_38 = tpu.memref_slice %arg7[%dma_wait3A_37] : memref<512xi32, #tpu.memory_space<vmem>> -> memref<256xi32, #tpu.memory_space<vmem>>
    %dma_wait3A_39 = arith.constant 0 : i32
    %dma_wait3A_40 = tpu.memref_slice %arg5[%dma_wait3A_39] : memref<100000xf32, #tpu.memory_space<hbm>> -> memref<100000xf32, #tpu.memory_space<hbm>>
    tpu.wait_indirect_dma semaphore(%arg11 : memref<!tpu.dma_semaphore, #tpu.memory_space<semaphore_mem>>) src(%dma_wait3A_40 : memref<100000xf32, #tpu.memory_space<hbm>>) dst(%dma_wait3A_36 : memref<256xf32, #tpu.memory_space<vmem>>)
    %get3A_41 = arith.constant 0 : index
    %get3A_42 = tpu.vector_load %arg9[%get3A_41] {strides = array<i32>} : memref<512xf32, #tpu.memory_space<vmem>>, vector<16xf32>,
    %get3A_43 = vector.shape_cast %get3A_42 : vector<16xf32> to vector<16xf32>
    %get3A_44 = arith.constant 0 : index
    %get3A_45 = tpu.vector_load %arg8[%get3A_44] {strides = array<i32>} : memref<512xf32, #tpu.memory_space<vmem>>, vector<16xf32>,
    %get3A_46 = vector.shape_cast %get3A_45 : vector<16xf32> to vector<16xf32>
    %sub3A = arith.subf %get3A_29, %get3A_46 : vector<16xf32>
    %mul3A_47 = arith.mulf %get3A_43, %sub3A : vector<16xf32>
    %neg3A = arith.constant 0.000000e+00 : f32
    %neg3A_48 = vector.broadcast %neg3A : f32 to vector<16xf32>
    %neg3A_49 = arith.subf %neg3A_48, %mul3A_47 : vector<16xf32>
    %exp3A = math.exp %neg3A_49 : vector<16xf32>
    %add3A_50 = arith.constant 1.000000e+00 : f32
    %add3A_51 = vector.broadcast %add3A_50 : f32 to vector<16xf32>
    %add3A_52 = arith.addf %add3A_51, %exp3A : vector<16xf32>
    %div3A = arith.constant 1.000000e+00 : f32
    %div3A_53 = vector.broadcast %div3A : f32 to vector<16xf32>
    %div3A_54 = arith.divf %div3A_53, %add3A_52 : vector<16xf32>
    %swap3A = arith.constant 0 : index
    %swap3A_55 = tpu.vector_load %arg8[%swap3A] {strides = array<i32>} : memref<512xf32, #tpu.memory_space<vmem>>, vector<16xf32>,
    %swap3A_56 = vector.shape_cast %swap3A_55 : vector<16xf32> to vector<16xf32>
    %swap3A_57 = vector.shape_cast %div3A_54 : vector<16xf32> to vector<16xf32>
    tpu.vector_store %arg8[%swap3A], %swap3A_57 {strides = array<i32>} : memref<512xf32, #tpu.memory_space<vmem>>, vector<16xf32>,
    %get3A_58 = arith.constant 16 : index
    %get3A_59 = tpu.vector_load %arg9[%get3A_58] {strides = array<i32>} : memref<512xf32, #tpu.memory_space<vmem>>, vector<16xf32>,
    %get3A_60 = vector.shape_cast %get3A_59 : vector<16xf32> to vector<16xf32>
    %get3A_61 = arith.constant 16 : index
    %get3A_62 = tpu.vector_load %arg8[%get3A_61] {strides = array<i32>} : memref<512xf32, #tpu.memory_space<vmem>>, vector<16xf32>,
    %get3A_63 = vector.shape_cast %get3A_62 : vector<16xf32> to vector<16xf32>
    %sub3A_64 = arith.subf %get3A_29, %get3A_63 : vector<16xf32>
    %mul3A_65 = arith.mulf %get3A_60, %sub3A_64 : vector<16xf32>
    %neg3A_66 = arith.constant 0.000000e+00 : f32
    %neg3A_67 = vector.broadcast %neg3A_66 : f32 to vector<16xf32>
    %neg3A_68 = arith.subf %neg3A_67, %mul3A_65 : vector<16xf32>
    %exp3A_69 = math.exp %neg3A_68 : vector<16xf32>
    %add3A_70 = arith.constant 1.000000e+00 : f32
    %add3A_71 = vector.broadcast %add3A_70 : f32 to vector<16xf32>
    %add3A_72 = arith.addf %add3A_71, %exp3A_69 : vector<16xf32>
    %div3A_73 = arith.constant 1.000000e+00 : f32
    %div3A_74 = vector.broadcast %div3A_73 : f32 to vector<16xf32>
    %div3A_75 = arith.divf %div3A_74, %add3A_72 : vector<16xf32>
    %swap3A_76 = arith.constant 16 : index
    %swap3A_77 = tpu.vector_load %arg8[%swap3A_76] {strides = array<i32>} : memref<512xf32, #tpu.memory_space<vmem>>, vector<16xf32>,
    %swap3A_78 = vector.shape_cast %swap3A_77 : vector<16xf32> to vector<16xf32>
    %swap3A_79 = vector.shape_cast %div3A_75 : vector<16xf32> to vector<16xf32>
    tpu.vector_store %arg8[%swap3A_76], %swap3A_79 {strides = array<i32>} : memref<512xf32, #tpu.memory_space<vmem>>, vector<16xf32>,
    %get3A_80 = arith.constant 32 : index
    %get3A_81 = tpu.vector_load %arg9[%get3A_80] {strides = array<i32>} : memref<512xf32, #tpu.memory_space<vmem>>, vector<16xf32>,
    %get3A_82 = vector.shape_cast %get3A_81 : vector<16xf32> to vector<16xf32>
    %get3A_83 = arith.constant 32 : index
    %get3A_84 = tpu.vector_load %arg8[%get3A_83] {strides = array<i32>} : memref<512xf32, #tpu.memory_space<vmem>>, vector<16xf32>,
    %get3A_85 = vector.shape_cast %get3A_84 : vector<16xf32> to vector<16xf32>
    %sub3A_86 = arith.subf %get3A_29, %get3A_85 : vector<16xf32>
    %mul3A_87 = arith.mulf %get3A_82, %sub3A_86 : vector<16xf32>
    %neg3A_88 = arith.constant 0.000000e+00 : f32
    %neg3A_89 = vector.broadcast %neg3A_88 : f32 to vector<16xf32>
    %neg3A_90 = arith.subf %neg3A_89, %mul3A_87 : vector<16xf32>
    %exp3A_91 = math.exp %neg3A_90 : vector<16xf32>
    %add3A_92 = arith.constant 1.000000e+00 : f32
    %add3A_93 = vector.broadcast %add3A_92 : f32 to vector<16xf32>
    %add3A_94 = arith.addf %add3A_93, %exp3A_91 : vector<16xf32>
    %div3A_95 = arith.constant 1.000000e+00 : f32
    %div3A_96 = vector.broadcast %div3A_95 : f32 to vector<16xf32>
    %div3A_97 = arith.divf %div3A_96, %add3A_94 : vector<16xf32>
    %swap3A_98 = arith.constant 32 : index
    %swap3A_99 = tpu.vector_load %arg8[%swap3A_98] {strides = array<i32>} : memref<512xf32, #tpu.memory_space<vmem>>, vector<16xf32>,
    %swap3A_100 = vector.shape_cast %swap3A_99 : vector<16xf32> to vector<16xf32>
    %swap3A_101 = vector.shape_cast %div3A_97 : vector<16xf32> to vector<16xf32>
    tpu.vector_store %arg8[%swap3A_98], %swap3A_101 {strides = array<i32>} : memref<512xf32, #tpu.memory_space<vmem>>, vector<16xf32>,
    %get3A_102 = arith.constant 48 : index
    %get3A_103 = tpu.vector_load %arg9[%get3A_102] {strides = array<i32>} : memref<512xf32, #tpu.memory_space<vmem>>, vector<16xf32>,
    %get3A_104 = vector.shape_cast %get3A_103 : vector<16xf32> to vector<16xf32>
    %get3A_105 = arith.constant 48 : index
    %get3A_106 = tpu.vector_load %arg8[%get3A_105] {strides = array<i32>} : memref<512xf32, #tpu.memory_space<vmem>>, vector<16xf32>,
    %get3A_107 = vector.shape_cast %get3A_106 : vector<16xf32> to vector<16xf32>
    %sub3A_108 = arith.subf %get3A_29, %get3A_107 : vector<16xf32>
    %mul3A_109 = arith.mulf %get3A_104, %sub3A_108 : vector<16xf32>
    %neg3A_110 = arith.constant 0.000000e+00 : f32
    %neg3A_111 = vector.broadcast %neg3A_110 : f32 to vector<16xf32>
    %neg3A_112 = arith.subf %neg3A_111, %mul3A_109 : vector<16xf32>
    %exp3A_113 = math.exp %neg3A_112 : vector<16xf32>
    %add3A_114 = arith.constant 1.000000e+00 : f32
    %add3A_115 = vector.broadcast %add3A_114 : f32 to vector<16xf32>
    %add3A_116 = arith.addf %add3A_115, %exp3A_113 : vector<16xf32>
    %div3A_117 = arith.constant 1.000000e+00 : f32
    %div3A_118 = vector.broadcast %div3A_117 : f32 to vector<16xf32>
    %div3A_119 = arith.divf %div3A_118, %add3A_116 : vector<16xf32>
    %swap3A_120 = arith.constant 48 : index
    %swap3A_121 = tpu.vector_load %arg8[%swap3A_120] {strides = array<i32>} : memref<512xf32, #tpu.memory_space<vmem>>, vector<16xf32>,
    %swap3A_122 = vector.shape_cast %swap3A_121 : vector<16xf32> to vector<16xf32>
    %swap3A_123 = vector.shape_cast %div3A_119 : vector<16xf32> to vector<16xf32>
    tpu.vector_store %arg8[%swap3A_120], %swap3A_123 {strides = array<i32>} : memref<512xf32, #tpu.memory_space<vmem>>, vector<16xf32>,
    %get3A_124 = arith.constant 64 : index
    %get3A_125 = tpu.vector_load %arg9[%get3A_124] {strides = array<i32>} : memref<512xf32, #tpu.memory_space<vmem>>, vector<16xf32>,
    %get3A_126 = vector.shape_cast %get3A_125 : vector<16xf32> to vector<16xf32>
    %get3A_127 = arith.constant 64 : index
    %get3A_128 = tpu.vector_load %arg8[%get3A_127] {strides = array<i32>} : memref<512xf32, #tpu.memory_space<vmem>>, vector<16xf32>,
    %get3A_129 = vector.shape_cast %get3A_128 : vector<16xf32> to vector<16xf32>
    %sub3A_130 = arith.subf %get3A_29, %get3A_129 : vector<16xf32>
    %mul3A_131 = arith.mulf %get3A_126, %sub3A_130 : vector<16xf32>
    %neg3A_132 = arith.constant 0.000000e+00 : f32
    %neg3A_133 = vector.broadcast %neg3A_132 : f32 to vector<16xf32>
    %neg3A_134 = arith.subf %neg3A_133, %mul3A_131 : vector<16xf32>
    %exp3A_135 = math.exp %neg3A_134 : vector<16xf32>
    %add3A_136 = arith.constant 1.000000e+00 : f32
    %add3A_137 = vector.broadcast %add3A_136 : f32 to vector<16xf32>
    %add3A_138 = arith.addf %add3A_137, %exp3A_135 : vector<16xf32>
    %div3A_139 = arith.constant 1.000000e+00 : f32
    %div3A_140 = vector.broadcast %div3A_139 : f32 to vector<16xf32>
    %div3A_141 = arith.divf %div3A_140, %add3A_138 : vector<16xf32>
    %swap3A_142 = arith.constant 64 : index
    %swap3A_143 = tpu.vector_load %arg8[%swap3A_142] {strides = array<i32>} : memref<512xf32, #tpu.memory_space<vmem>>, vector<16xf32>,
    %swap3A_144 = vector.shape_cast %swap3A_143 : vector<16xf32> to vector<16xf32>
    %swap3A_145 = vector.shape_cast %div3A_141 : vector<16xf32> to vector<16xf32>
    tpu.vector_store %arg8[%swap3A_142], %swap3A_145 {strides = array<i32>} : memref<512xf32, #tpu.memory_space<vmem>>, vector<16xf32>,
    %get3A_146 = arith.constant 80 : index
    %get3A_147 = tpu.vector_load %arg9[%get3A_146] {strides = array<i32>} : memref<512xf32, #tpu.memory_space<vmem>>, vector<16xf32>,
    %get3A_148 = vector.shape_cast %get3A_147 : vector<16xf32> to vector<16xf32>
    %get3A_149 = arith.constant 80 : index
    %get3A_150 = tpu.vector_load %arg8[%get3A_149] {strides = array<i32>} : memref<512xf32, #tpu.memory_space<vmem>>, vector<16xf32>,
    %get3A_151 = vector.shape_cast %get3A_150 : vector<16xf32> to vector<16xf32>
    %sub3A_152 = arith.subf %get3A_29, %get3A_151 : vector<16xf32>
    %mul3A_153 = arith.mulf %get3A_148, %sub3A_152 : vector<16xf32>
    %neg3A_154 = arith.constant 0.000000e+00 : f32
    %neg3A_155 = vector.broadcast %neg3A_154 : f32 to vector<16xf32>
    %neg3A_156 = arith.subf %neg3A_155, %mul3A_153 : vector<16xf32>
    %exp3A_157 = math.exp %neg3A_156 : vector<16xf32>
    %add3A_158 = arith.constant 1.000000e+00 : f32
    %add3A_159 = vector.broadcast %add3A_158 : f32 to vector<16xf32>
    %add3A_160 = arith.addf %add3A_159, %exp3A_157 : vector<16xf32>
    %div3A_161 = arith.constant 1.000000e+00 : f32
    %div3A_162 = vector.broadcast %div3A_161 : f32 to vector<16xf32>
    %div3A_163 = arith.divf %div3A_162, %add3A_160 : vector<16xf32>
    %swap3A_164 = arith.constant 80 : index
    %swap3A_165 = tpu.vector_load %arg8[%swap3A_164] {strides = array<i32>} : memref<512xf32, #tpu.memory_space<vmem>>, vector<16xf32>,
    %swap3A_166 = vector.shape_cast %swap3A_165 : vector<16xf32> to vector<16xf32>
    %swap3A_167 = vector.shape_cast %div3A_163 : vector<16xf32> to vector<16xf32>
    tpu.vector_store %arg8[%swap3A_164], %swap3A_167 {strides = array<i32>} : memref<512xf32, #tpu.memory_space<vmem>>, vector<16xf32>,
    %get3A_168 = arith.constant 96 : index
    %get3A_169 = tpu.vector_load %arg9[%get3A_168] {strides = array<i32>} : memref<512xf32, #tpu.memory_space<vmem>>, vector<16xf32>,
    %get3A_170 = vector.shape_cast %get3A_169 : vector<16xf32> to vector<16xf32>
    %get3A_171 = arith.constant 96 : index
    %get3A_172 = tpu.vector_load %arg8[%get3A_171] {strides = array<i32>} : memref<512xf32, #tpu.memory_space<vmem>>, vector<16xf32>,
    %get3A_173 = vector.shape_cast %get3A_172 : vector<16xf32> to vector<16xf32>
    %sub3A_174 = arith.subf %get3A_29, %get3A_173 : vector<16xf32>
    %mul3A_175 = arith.mulf %get3A_170, %sub3A_174 : vector<16xf32>
    %neg3A_176 = arith.constant 0.000000e+00 : f32
    %neg3A_177 = vector.broadcast %neg3A_176 : f32 to vector<16xf32>
    %neg3A_178 = arith.subf %neg3A_177, %mul3A_175 : vector<16xf32>
    %exp3A_179 = math.exp %neg3A_178 : vector<16xf32>
    %add3A_180 = arith.constant 1.000000e+00 : f32
    %add3A_181 = vector.broadcast %add3A_180 : f32 to vector<16xf32>
    %add3A_182 = arith.addf %add3A_181, %exp3A_179 : vector<16xf32>
    %div3A_183 = arith.constant 1.000000e+00 : f32
    %div3A_184 = vector.broadcast %div3A_183 : f32 to vector<16xf32>
    %div3A_185 = arith.divf %div3A_184, %add3A_182 : vector<16xf32>
    %swap3A_186 = arith.constant 96 : index
    %swap3A_187 = tpu.vector_load %arg8[%swap3A_186] {strides = array<i32>} : memref<512xf32, #tpu.memory_space<vmem>>, vector<16xf32>,
    %swap3A_188 = vector.shape_cast %swap3A_187 : vector<16xf32> to vector<16xf32>
    %swap3A_189 = vector.shape_cast %div3A_185 : vector<16xf32> to vector<16xf32>
    tpu.vector_store %arg8[%swap3A_186], %swap3A_189 {strides = array<i32>} : memref<512xf32, #tpu.memory_space<vmem>>, vector<16xf32>,
    %get3A_190 = arith.constant 112 : index
    %get3A_191 = tpu.vector_load %arg9[%get3A_190] {strides = array<i32>} : memref<512xf32, #tpu.memory_space<vmem>>, vector<16xf32>,
    %get3A_192 = vector.shape_cast %get3A_191 : vector<16xf32> to vector<16xf32>
    %get3A_193 = arith.constant 112 : index
    %get3A_194 = tpu.vector_load %arg8[%get3A_193] {strides = array<i32>} : memref<512xf32, #tpu.memory_space<vmem>>, vector<16xf32>,
    %get3A_195 = vector.shape_cast %get3A_194 : vector<16xf32> to vector<16xf32>
    %sub3A_196 = arith.subf %get3A_29, %get3A_195 : vector<16xf32>
    %mul3A_197 = arith.mulf %get3A_192, %sub3A_196 : vector<16xf32>
    %neg3A_198 = arith.constant 0.000000e+00 : f32
    %neg3A_199 = vector.broadcast %neg3A_198 : f32 to vector<16xf32>
    %neg3A_200 = arith.subf %neg3A_199, %mul3A_197 : vector<16xf32>
    %exp3A_201 = math.exp %neg3A_200 : vector<16xf32>
    %add3A_202 = arith.constant 1.000000e+00 : f32
    %add3A_203 = vector.broadcast %add3A_202 : f32 to vector<16xf32>
    %add3A_204 = arith.addf %add3A_203, %exp3A_201 : vector<16xf32>
    %div3A_205 = arith.constant 1.000000e+00 : f32
    %div3A_206 = vector.broadcast %div3A_205 : f32 to vector<16xf32>
    %div3A_207 = arith.divf %div3A_206, %add3A_204 : vector<16xf32>
    %swap3A_208 = arith.constant 112 : index
    %swap3A_209 = tpu.vector_load %arg8[%swap3A_208] {strides = array<i32>} : memref<512xf32, #tpu.memory_space<vmem>>, vector<16xf32>,
    %swap3A_210 = vector.shape_cast %swap3A_209 : vector<16xf32> to vector<16xf32>
    %swap3A_211 = vector.shape_cast %div3A_207 : vector<16xf32> to vector<16xf32>
    tpu.vector_store %arg8[%swap3A_208], %swap3A_211 {strides = array<i32>} : memref<512xf32, #tpu.memory_space<vmem>>, vector<16xf32>,
    %get3A_212 = arith.constant 128 : index
    %get3A_213 = tpu.vector_load %arg9[%get3A_212] {strides = array<i32>} : memref<512xf32, #tpu.memory_space<vmem>>, vector<16xf32>,
    %get3A_214 = vector.shape_cast %get3A_213 : vector<16xf32> to vector<16xf32>
    %get3A_215 = arith.constant 128 : index
    %get3A_216 = tpu.vector_load %arg8[%get3A_215] {strides = array<i32>} : memref<512xf32, #tpu.memory_space<vmem>>, vector<16xf32>,
    %get3A_217 = vector.shape_cast %get3A_216 : vector<16xf32> to vector<16xf32>
    %sub3A_218 = arith.subf %get3A_29, %get3A_217 : vector<16xf32>
    %mul3A_219 = arith.mulf %get3A_214, %sub3A_218 : vector<16xf32>
    %neg3A_220 = arith.constant 0.000000e+00 : f32
    %neg3A_221 = vector.broadcast %neg3A_220 : f32 to vector<16xf32>
    %neg3A_222 = arith.subf %neg3A_221, %mul3A_219 : vector<16xf32>
    %exp3A_223 = math.exp %neg3A_222 : vector<16xf32>
    %add3A_224 = arith.constant 1.000000e+00 : f32
    %add3A_225 = vector.broadcast %add3A_224 : f32 to vector<16xf32>
    %add3A_226 = arith.addf %add3A_225, %exp3A_223 : vector<16xf32>
    %div3A_227 = arith.constant 1.000000e+00 : f32
    %div3A_228 = vector.broadcast %div3A_227 : f32 to vector<16xf32>
    %div3A_229 = arith.divf %div3A_228, %add3A_226 : vector<16xf32>
    %swap3A_230 = arith.constant 128 : index
    %swap3A_231 = tpu.vector_load %arg8[%swap3A_230] {strides = array<i32>} : memref<512xf32, #tpu.memory_space<vmem>>, vector<16xf32>,
    %swap3A_232 = vector.shape_cast %swap3A_231 : vector<16xf32> to vector<16xf32>
    %swap3A_233 = vector.shape_cast %div3A_229 : vector<16xf32> to vector<16xf32>
    tpu.vector_store %arg8[%swap3A_230], %swap3A_233 {strides = array<i32>} : memref<512xf32, #tpu.memory_space<vmem>>, vector<16xf32>,
    %get3A_234 = arith.constant 144 : index
    %get3A_235 = tpu.vector_load %arg9[%get3A_234] {strides = array<i32>} : memref<512xf32, #tpu.memory_space<vmem>>, vector<16xf32>,
    %get3A_236 = vector.shape_cast %get3A_235 : vector<16xf32> to vector<16xf32>
    %get3A_237 = arith.constant 144 : index
    %get3A_238 = tpu.vector_load %arg8[%get3A_237] {strides = array<i32>} : memref<512xf32, #tpu.memory_space<vmem>>, vector<16xf32>,
    %get3A_239 = vector.shape_cast %get3A_238 : vector<16xf32> to vector<16xf32>
    %sub3A_240 = arith.subf %get3A_29, %get3A_239 : vector<16xf32>
    %mul3A_241 = arith.mulf %get3A_236, %sub3A_240 : vector<16xf32>
    %neg3A_242 = arith.constant 0.000000e+00 : f32
    %neg3A_243 = vector.broadcast %neg3A_242 : f32 to vector<16xf32>
    %neg3A_244 = arith.subf %neg3A_243, %mul3A_241 : vector<16xf32>
    %exp3A_245 = math.exp %neg3A_244 : vector<16xf32>
    %add3A_246 = arith.constant 1.000000e+00 : f32
    %add3A_247 = vector.broadcast %add3A_246 : f32 to vector<16xf32>
    %add3A_248 = arith.addf %add3A_247, %exp3A_245 : vector<16xf32>
    %div3A_249 = arith.constant 1.000000e+00 : f32
    %div3A_250 = vector.broadcast %div3A_249 : f32 to vector<16xf32>
    %div3A_251 = arith.divf %div3A_250, %add3A_248 : vector<16xf32>
    %swap3A_252 = arith.constant 144 : index
    %swap3A_253 = tpu.vector_load %arg8[%swap3A_252] {strides = array<i32>} : memref<512xf32, #tpu.memory_space<vmem>>, vector<16xf32>,
    %swap3A_254 = vector.shape_cast %swap3A_253 : vector<16xf32> to vector<16xf32>
    %swap3A_255 = vector.shape_cast %div3A_251 : vector<16xf32> to vector<16xf32>
    tpu.vector_store %arg8[%swap3A_252], %swap3A_255 {strides = array<i32>} : memref<512xf32, #tpu.memory_space<vmem>>, vector<16xf32>,
    %get3A_256 = arith.constant 160 : index
    %get3A_257 = tpu.vector_load %arg9[%get3A_256] {strides = array<i32>} : memref<512xf32, #tpu.memory_space<vmem>>, vector<16xf32>,
    %get3A_258 = vector.shape_cast %get3A_257 : vector<16xf32> to vector<16xf32>
    %get3A_259 = arith.constant 160 : index
    %get3A_260 = tpu.vector_load %arg8[%get3A_259] {strides = array<i32>} : memref<512xf32, #tpu.memory_space<vmem>>, vector<16xf32>,
    %get3A_261 = vector.shape_cast %get3A_260 : vector<16xf32> to vector<16xf32>
    %sub3A_262 = arith.subf %get3A_29, %get3A_261 : vector<16xf32>
    %mul3A_263 = arith.mulf %get3A_258, %sub3A_262 : vector<16xf32>
    %neg3A_264 = arith.constant 0.000000e+00 : f32
    %neg3A_265 = vector.broadcast %neg3A_264 : f32 to vector<16xf32>
    %neg3A_266 = arith.subf %neg3A_265, %mul3A_263 : vector<16xf32>
    %exp3A_267 = math.exp %neg3A_266 : vector<16xf32>
    %add3A_268 = arith.constant 1.000000e+00 : f32
    %add3A_269 = vector.broadcast %add3A_268 : f32 to vector<16xf32>
    %add3A_270 = arith.addf %add3A_269, %exp3A_267 : vector<16xf32>
    %div3A_271 = arith.constant 1.000000e+00 : f32
    %div3A_272 = vector.broadcast %div3A_271 : f32 to vector<16xf32>
    %div3A_273 = arith.divf %div3A_272, %add3A_270 : vector<16xf32>
    %swap3A_274 = arith.constant 160 : index
    %swap3A_275 = tpu.vector_load %arg8[%swap3A_274] {strides = array<i32>} : memref<512xf32, #tpu.memory_space<vmem>>, vector<16xf32>,
    %swap3A_276 = vector.shape_cast %swap3A_275 : vector<16xf32> to vector<16xf32>
    %swap3A_277 = vector.shape_cast %div3A_273 : vector<16xf32> to vector<16xf32>
    tpu.vector_store %arg8[%swap3A_274], %swap3A_277 {strides = array<i32>} : memref<512xf32, #tpu.memory_space<vmem>>, vector<16xf32>,
    %get3A_278 = arith.constant 176 : index
    %get3A_279 = tpu.vector_load %arg9[%get3A_278] {strides = array<i32>} : memref<512xf32, #tpu.memory_space<vmem>>, vector<16xf32>,
    %get3A_280 = vector.shape_cast %get3A_279 : vector<16xf32> to vector<16xf32>
    %get3A_281 = arith.constant 176 : index
    %get3A_282 = tpu.vector_load %arg8[%get3A_281] {strides = array<i32>} : memref<512xf32, #tpu.memory_space<vmem>>, vector<16xf32>,
    %get3A_283 = vector.shape_cast %get3A_282 : vector<16xf32> to vector<16xf32>
    %sub3A_284 = arith.subf %get3A_29, %get3A_283 : vector<16xf32>
    %mul3A_285 = arith.mulf %get3A_280, %sub3A_284 : vector<16xf32>
    %neg3A_286 = arith.constant 0.000000e+00 : f32
    %neg3A_287 = vector.broadcast %neg3A_286 : f32 to vector<16xf32>
    %neg3A_288 = arith.subf %neg3A_287, %mul3A_285 : vector<16xf32>
    %exp3A_289 = math.exp %neg3A_288 : vector<16xf32>
    %add3A_290 = arith.constant 1.000000e+00 : f32
    %add3A_291 = vector.broadcast %add3A_290 : f32 to vector<16xf32>
    %add3A_292 = arith.addf %add3A_291, %exp3A_289 : vector<16xf32>
    %div3A_293 = arith.constant 1.000000e+00 : f32
    %div3A_294 = vector.broadcast %div3A_293 : f32 to vector<16xf32>
    %div3A_295 = arith.divf %div3A_294, %add3A_292 : vector<16xf32>
    %swap3A_296 = arith.constant 176 : index
    %swap3A_297 = tpu.vector_load %arg8[%swap3A_296] {strides = array<i32>} : memref<512xf32, #tpu.memory_space<vmem>>, vector<16xf32>,
    %swap3A_298 = vector.shape_cast %swap3A_297 : vector<16xf32> to vector<16xf32>
    %swap3A_299 = vector.shape_cast %div3A_295 : vector<16xf32> to vector<16xf32>
    tpu.vector_store %arg8[%swap3A_296], %swap3A_299 {strides = array<i32>} : memref<512xf32, #tpu.memory_space<vmem>>, vector<16xf32>,
    %get3A_300 = arith.constant 192 : index
    %get3A_301 = tpu.vector_load %arg9[%get3A_300] {strides = array<i32>} : memref<512xf32, #tpu.memory_space<vmem>>, vector<16xf32>,
    %get3A_302 = vector.shape_cast %get3A_301 : vector<16xf32> to vector<16xf32>
    %get3A_303 = arith.constant 192 : index
    %get3A_304 = tpu.vector_load %arg8[%get3A_303] {strides = array<i32>} : memref<512xf32, #tpu.memory_space<vmem>>, vector<16xf32>,
    %get3A_305 = vector.shape_cast %get3A_304 : vector<16xf32> to vector<16xf32>
    %sub3A_306 = arith.subf %get3A_29, %get3A_305 : vector<16xf32>
    %mul3A_307 = arith.mulf %get3A_302, %sub3A_306 : vector<16xf32>
    %neg3A_308 = arith.constant 0.000000e+00 : f32
    %neg3A_309 = vector.broadcast %neg3A_308 : f32 to vector<16xf32>
    %neg3A_310 = arith.subf %neg3A_309, %mul3A_307 : vector<16xf32>
    %exp3A_311 = math.exp %neg3A_310 : vector<16xf32>
    %add3A_312 = arith.constant 1.000000e+00 : f32
    %add3A_313 = vector.broadcast %add3A_312 : f32 to vector<16xf32>
    %add3A_314 = arith.addf %add3A_313, %exp3A_311 : vector<16xf32>
    %div3A_315 = arith.constant 1.000000e+00 : f32
    %div3A_316 = vector.broadcast %div3A_315 : f32 to vector<16xf32>
    %div3A_317 = arith.divf %div3A_316, %add3A_314 : vector<16xf32>
    %swap3A_318 = arith.constant 192 : index
    %swap3A_319 = tpu.vector_load %arg8[%swap3A_318] {strides = array<i32>} : memref<512xf32, #tpu.memory_space<vmem>>, vector<16xf32>,
    %swap3A_320 = vector.shape_cast %swap3A_319 : vector<16xf32> to vector<16xf32>
    %swap3A_321 = vector.shape_cast %div3A_317 : vector<16xf32> to vector<16xf32>
    tpu.vector_store %arg8[%swap3A_318], %swap3A_321 {strides = array<i32>} : memref<512xf32, #tpu.memory_space<vmem>>, vector<16xf32>,
    %get3A_322 = arith.constant 208 : index
    %get3A_323 = tpu.vector_load %arg9[%get3A_322] {strides = array<i32>} : memref<512xf32, #tpu.memory_space<vmem>>, vector<16xf32>,
    %get3A_324 = vector.shape_cast %get3A_323 : vector<16xf32> to vector<16xf32>
    %get3A_325 = arith.constant 208 : index
    %get3A_326 = tpu.vector_load %arg8[%get3A_325] {strides = array<i32>} : memref<512xf32, #tpu.memory_space<vmem>>, vector<16xf32>,
    %get3A_327 = vector.shape_cast %get3A_326 : vector<16xf32> to vector<16xf32>
    %sub3A_328 = arith.subf %get3A_29, %get3A_327 : vector<16xf32>
    %mul3A_329 = arith.mulf %get3A_324, %sub3A_328 : vector<16xf32>
    %neg3A_330 = arith.constant 0.000000e+00 : f32
    %neg3A_331 = vector.broadcast %neg3A_330 : f32 to vector<16xf32>
    %neg3A_332 = arith.subf %neg3A_331, %mul3A_329 : vector<16xf32>
    %exp3A_333 = math.exp %neg3A_332 : vector<16xf32>
    %add3A_334 = arith.constant 1.000000e+00 : f32
    %add3A_335 = vector.broadcast %add3A_334 : f32 to vector<16xf32>
    %add3A_336 = arith.addf %add3A_335, %exp3A_333 : vector<16xf32>
    %div3A_337 = arith.constant 1.000000e+00 : f32
    %div3A_338 = vector.broadcast %div3A_337 : f32 to vector<16xf32>
    %div3A_339 = arith.divf %div3A_338, %add3A_336 : vector<16xf32>
    %swap3A_340 = arith.constant 208 : index
    %swap3A_341 = tpu.vector_load %arg8[%swap3A_340] {strides = array<i32>} : memref<512xf32, #tpu.memory_space<vmem>>, vector<16xf32>,
    %swap3A_342 = vector.shape_cast %swap3A_341 : vector<16xf32> to vector<16xf32>
    %swap3A_343 = vector.shape_cast %div3A_339 : vector<16xf32> to vector<16xf32>
    tpu.vector_store %arg8[%swap3A_340], %swap3A_343 {strides = array<i32>} : memref<512xf32, #tpu.memory_space<vmem>>, vector<16xf32>,
    %get3A_344 = arith.constant 224 : index
    %get3A_345 = tpu.vector_load %arg9[%get3A_344] {strides = array<i32>} : memref<512xf32, #tpu.memory_space<vmem>>, vector<16xf32>,
    %get3A_346 = vector.shape_cast %get3A_345 : vector<16xf32> to vector<16xf32>
    %get3A_347 = arith.constant 224 : index
    %get3A_348 = tpu.vector_load %arg8[%get3A_347] {strides = array<i32>} : memref<512xf32, #tpu.memory_space<vmem>>, vector<16xf32>,
    %get3A_349 = vector.shape_cast %get3A_348 : vector<16xf32> to vector<16xf32>
    %sub3A_350 = arith.subf %get3A_29, %get3A_349 : vector<16xf32>
    %mul3A_351 = arith.mulf %get3A_346, %sub3A_350 : vector<16xf32>
    %neg3A_352 = arith.constant 0.000000e+00 : f32
    %neg3A_353 = vector.broadcast %neg3A_352 : f32 to vector<16xf32>
    %neg3A_354 = arith.subf %neg3A_353, %mul3A_351 : vector<16xf32>
    %exp3A_355 = math.exp %neg3A_354 : vector<16xf32>
    %add3A_356 = arith.constant 1.000000e+00 : f32
    %add3A_357 = vector.broadcast %add3A_356 : f32 to vector<16xf32>
    %add3A_358 = arith.addf %add3A_357, %exp3A_355 : vector<16xf32>
    %div3A_359 = arith.constant 1.000000e+00 : f32
    %div3A_360 = vector.broadcast %div3A_359 : f32 to vector<16xf32>
    %div3A_361 = arith.divf %div3A_360, %add3A_358 : vector<16xf32>
    %swap3A_362 = arith.constant 224 : index
    %swap3A_363 = tpu.vector_load %arg8[%swap3A_362] {strides = array<i32>} : memref<512xf32, #tpu.memory_space<vmem>>, vector<16xf32>,
    %swap3A_364 = vector.shape_cast %swap3A_363 : vector<16xf32> to vector<16xf32>
    %swap3A_365 = vector.shape_cast %div3A_361 : vector<16xf32> to vector<16xf32>
    tpu.vector_store %arg8[%swap3A_362], %swap3A_365 {strides = array<i32>} : memref<512xf32, #tpu.memory_space<vmem>>, vector<16xf32>,
    %get3A_366 = arith.constant 240 : index
    %get3A_367 = tpu.vector_load %arg9[%get3A_366] {strides = array<i32>} : memref<512xf32, #tpu.memory_space<vmem>>, vector<16xf32>,
    %get3A_368 = vector.shape_cast %get3A_367 : vector<16xf32> to vector<16xf32>
    %get3A_369 = arith.constant 240 : index
    %get3A_370 = tpu.vector_load %arg8[%get3A_369] {strides = array<i32>} : memref<512xf32, #tpu.memory_space<vmem>>, vector<16xf32>,
    %get3A_371 = vector.shape_cast %get3A_370 : vector<16xf32> to vector<16xf32>
    %sub3A_372 = arith.subf %get3A_29, %get3A_371 : vector<16xf32>
    %mul3A_373 = arith.mulf %get3A_368, %sub3A_372 : vector<16xf32>
    %neg3A_374 = arith.constant 0.000000e+00 : f32
    %neg3A_375 = vector.broadcast %neg3A_374 : f32 to vector<16xf32>
    %neg3A_376 = arith.subf %neg3A_375, %mul3A_373 : vector<16xf32>
    %exp3A_377 = math.exp %neg3A_376 : vector<16xf32>
    %add3A_378 = arith.constant 1.000000e+00 : f32
    %add3A_379 = vector.broadcast %add3A_378 : f32 to vector<16xf32>
    %add3A_380 = arith.addf %add3A_379, %exp3A_377 : vector<16xf32>
    %div3A_381 = arith.constant 1.000000e+00 : f32
    %div3A_382 = vector.broadcast %div3A_381 : f32 to vector<16xf32>
    %div3A_383 = arith.divf %div3A_382, %add3A_380 : vector<16xf32>
    %swap3A_384 = arith.constant 240 : index
    %swap3A_385 = tpu.vector_load %arg8[%swap3A_384] {strides = array<i32>} : memref<512xf32, #tpu.memory_space<vmem>>, vector<16xf32>,
    %swap3A_386 = vector.shape_cast %swap3A_385 : vector<16xf32> to vector<16xf32>
    %swap3A_387 = vector.shape_cast %div3A_383 : vector<16xf32> to vector<16xf32>
    tpu.vector_store %arg8[%swap3A_384], %swap3A_387 {strides = array<i32>} : memref<512xf32, #tpu.memory_space<vmem>>, vector<16xf32>,
    %dma_start3A_388 = arith.constant 0 : i32
    %dma_start3A_389 = tpu.memref_slice %arg8[%dma_start3A_388] : memref<512xf32, #tpu.memory_space<vmem>> -> memref<256xf32, #tpu.memory_space<vmem>>
    %dma_start3A_390 = tpu.memref_slice %arg6[%mul3A_2] : memref<16384xf32, #tpu.memory_space<hbm>> -> memref<256xf32, #tpu.memory_space<hbm>>
    %dma_start3A_391 = tpu.memref_slice %arg6[%mul3A_2] : memref<16384xf32, #tpu.memory_space<hbm>> -> memref<256xf32, #tpu.memory_space<hbm>>
    %dma_start3A_392 = arith.constant 0 : i32
    %dma_start3A_393 = tpu.memref_slice %arg8[%dma_start3A_392] : memref<512xf32, #tpu.memory_space<vmem>> -> memref<256xf32, #tpu.memory_space<vmem>>
    tpu.enqueue_dma source(%dma_start3A_393 : memref<256xf32, #tpu.memory_space<vmem>>) target(%dma_start3A_391 : memref<256xf32, #tpu.memory_space<hbm>>) target_semaphore(%arg13 : memref<!tpu.dma_semaphore, #tpu.memory_space<semaphore_mem>>)
    %dma_wait3A_394 = arith.constant 256 : i32
    %dma_wait3A_395 = tpu.memref_slice %arg8[%dma_wait3A_394] : memref<512xf32, #tpu.memory_space<vmem>> -> memref<256xf32, #tpu.memory_space<vmem>>
    %dma_wait3A_396 = arith.constant 256 : i32
    %dma_wait3A_397 = tpu.memref_slice %arg7[%dma_wait3A_396] : memref<512xi32, #tpu.memory_space<vmem>> -> memref<256xi32, #tpu.memory_space<vmem>>
    %dma_wait3A_398 = arith.constant 0 : i32
    %dma_wait3A_399 = tpu.memref_slice %arg4[%dma_wait3A_398] : memref<100000xf32, #tpu.memory_space<hbm>> -> memref<100000xf32, #tpu.memory_space<hbm>>
    tpu.wait_indirect_dma semaphore(%arg12 : memref<!tpu.dma_semaphore, #tpu.memory_space<semaphore_mem>>) src(%dma_wait3A_399 : memref<100000xf32, #tpu.memory_space<hbm>>) dst(%dma_wait3A_395 : memref<256xf32, #tpu.memory_space<vmem>>)
    %dma_wait3A_400 = arith.constant 256 : i32
    %dma_wait3A_401 = tpu.memref_slice %arg9[%dma_wait3A_400] : memref<512xf32, #tpu.memory_space<vmem>> -> memref<256xf32, #tpu.memory_space<vmem>>
    %dma_wait3A_402 = arith.constant 256 : i32
    %dma_wait3A_403 = tpu.memref_slice %arg7[%dma_wait3A_402] : memref<512xi32, #tpu.memory_space<vmem>> -> memref<256xi32, #tpu.memory_space<vmem>>
    %dma_wait3A_404 = arith.constant 0 : i32
    %dma_wait3A_405 = tpu.memref_slice %arg5[%dma_wait3A_404] : memref<100000xf32, #tpu.memory_space<hbm>> -> memref<100000xf32, #tpu.memory_space<hbm>>
    tpu.wait_indirect_dma semaphore(%arg12 : memref<!tpu.dma_semaphore, #tpu.memory_space<semaphore_mem>>) src(%dma_wait3A_405 : memref<100000xf32, #tpu.memory_space<hbm>>) dst(%dma_wait3A_401 : memref<256xf32, #tpu.memory_space<vmem>>)
    %get3A_406 = arith.constant 256 : index
    %get3A_407 = tpu.vector_load %arg9[%get3A_406] {strides = array<i32>} : memref<512xf32, #tpu.memory_space<vmem>>, vector<16xf32>,
    %get3A_408 = vector.shape_cast %get3A_407 : vector<16xf32> to vector<16xf32>
    %get3A_409 = arith.constant 256 : index
    %get3A_410 = tpu.vector_load %arg8[%get3A_409] {strides = array<i32>} : memref<512xf32, #tpu.memory_space<vmem>>, vector<16xf32>,
    %get3A_411 = vector.shape_cast %get3A_410 : vector<16xf32> to vector<16xf32>
    %sub3A_412 = arith.subf %get3A_29, %get3A_411 : vector<16xf32>
    %mul3A_413 = arith.mulf %get3A_408, %sub3A_412 : vector<16xf32>
    %neg3A_414 = arith.constant 0.000000e+00 : f32
    %neg3A_415 = vector.broadcast %neg3A_414 : f32 to vector<16xf32>
    %neg3A_416 = arith.subf %neg3A_415, %mul3A_413 : vector<16xf32>
    %exp3A_417 = math.exp %neg3A_416 : vector<16xf32>
    %add3A_418 = arith.constant 1.000000e+00 : f32
    %add3A_419 = vector.broadcast %add3A_418 : f32 to vector<16xf32>
    %add3A_420 = arith.addf %add3A_419, %exp3A_417 : vector<16xf32>
    %div3A_421 = arith.constant 1.000000e+00 : f32
    %div3A_422 = vector.broadcast %div3A_421 : f32 to vector<16xf32>
    %div3A_423 = arith.divf %div3A_422, %add3A_420 : vector<16xf32>
    %swap3A_424 = arith.constant 256 : index
    %swap3A_425 = tpu.vector_load %arg8[%swap3A_424] {strides = array<i32>} : memref<512xf32, #tpu.memory_space<vmem>>, vector<16xf32>,
    %swap3A_426 = vector.shape_cast %swap3A_425 : vector<16xf32> to vector<16xf32>
    %swap3A_427 = vector.shape_cast %div3A_423 : vector<16xf32> to vector<16xf32>
    tpu.vector_store %arg8[%swap3A_424], %swap3A_427 {strides = array<i32>} : memref<512xf32, #tpu.memory_space<vmem>>, vector<16xf32>,
    %get3A_428 = arith.constant 272 : index
    %get3A_429 = tpu.vector_load %arg9[%get3A_428] {strides = array<i32>} : memref<512xf32, #tpu.memory_space<vmem>>, vector<16xf32>,
    %get3A_430 = vector.shape_cast %get3A_429 : vector<16xf32> to vector<16xf32>
    %get3A_431 = arith.constant 272 : index
    %get3A_432 = tpu.vector_load %arg8[%get3A_431] {strides = array<i32>} : memref<512xf32, #tpu.memory_space<vmem>>, vector<16xf32>,
    %get3A_433 = vector.shape_cast %get3A_432 : vector<16xf32> to vector<16xf32>
    %sub3A_434 = arith.subf %get3A_29, %get3A_433 : vector<16xf32>
    %mul3A_435 = arith.mulf %get3A_430, %sub3A_434 : vector<16xf32>
    %neg3A_436 = arith.constant 0.000000e+00 : f32
    %neg3A_437 = vector.broadcast %neg3A_436 : f32 to vector<16xf32>
    %neg3A_438 = arith.subf %neg3A_437, %mul3A_435 : vector<16xf32>
    %exp3A_439 = math.exp %neg3A_438 : vector<16xf32>
    %add3A_440 = arith.constant 1.000000e+00 : f32
    %add3A_441 = vector.broadcast %add3A_440 : f32 to vector<16xf32>
    %add3A_442 = arith.addf %add3A_441, %exp3A_439 : vector<16xf32>
    %div3A_443 = arith.constant 1.000000e+00 : f32
    %div3A_444 = vector.broadcast %div3A_443 : f32 to vector<16xf32>
    %div3A_445 = arith.divf %div3A_444, %add3A_442 : vector<16xf32>
    %swap3A_446 = arith.constant 272 : index
    %swap3A_447 = tpu.vector_load %arg8[%swap3A_446] {strides = array<i32>} : memref<512xf32, #tpu.memory_space<vmem>>, vector<16xf32>,
    %swap3A_448 = vector.shape_cast %swap3A_447 : vector<16xf32> to vector<16xf32>
    %swap3A_449 = vector.shape_cast %div3A_445 : vector<16xf32> to vector<16xf32>
    tpu.vector_store %arg8[%swap3A_446], %swap3A_449 {strides = array<i32>} : memref<512xf32, #tpu.memory_space<vmem>>, vector<16xf32>,
    %get3A_450 = arith.constant 288 : index
    %get3A_451 = tpu.vector_load %arg9[%get3A_450] {strides = array<i32>} : memref<512xf32, #tpu.memory_space<vmem>>, vector<16xf32>,
    %get3A_452 = vector.shape_cast %get3A_451 : vector<16xf32> to vector<16xf32>
    %get3A_453 = arith.constant 288 : index
    %get3A_454 = tpu.vector_load %arg8[%get3A_453] {strides = array<i32>} : memref<512xf32, #tpu.memory_space<vmem>>, vector<16xf32>,
    %get3A_455 = vector.shape_cast %get3A_454 : vector<16xf32> to vector<16xf32>
    %sub3A_456 = arith.subf %get3A_29, %get3A_455 : vector<16xf32>
    %mul3A_457 = arith.mulf %get3A_452, %sub3A_456 : vector<16xf32>
    %neg3A_458 = arith.constant 0.000000e+00 : f32
    %neg3A_459 = vector.broadcast %neg3A_458 : f32 to vector<16xf32>
    %neg3A_460 = arith.subf %neg3A_459, %mul3A_457 : vector<16xf32>
    %exp3A_461 = math.exp %neg3A_460 : vector<16xf32>
    %add3A_462 = arith.constant 1.000000e+00 : f32
    %add3A_463 = vector.broadcast %add3A_462 : f32 to vector<16xf32>
    %add3A_464 = arith.addf %add3A_463, %exp3A_461 : vector<16xf32>
    %div3A_465 = arith.constant 1.000000e+00 : f32
    %div3A_466 = vector.broadcast %div3A_465 : f32 to vector<16xf32>
    %div3A_467 = arith.divf %div3A_466, %add3A_464 : vector<16xf32>
    %swap3A_468 = arith.constant 288 : index
    %swap3A_469 = tpu.vector_load %arg8[%swap3A_468] {strides = array<i32>} : memref<512xf32, #tpu.memory_space<vmem>>, vector<16xf32>,
    %swap3A_470 = vector.shape_cast %swap3A_469 : vector<16xf32> to vector<16xf32>
    %swap3A_471 = vector.shape_cast %div3A_467 : vector<16xf32> to vector<16xf32>
    tpu.vector_store %arg8[%swap3A_468], %swap3A_471 {strides = array<i32>} : memref<512xf32, #tpu.memory_space<vmem>>, vector<16xf32>,
    %get3A_472 = arith.constant 304 : index
    %get3A_473 = tpu.vector_load %arg9[%get3A_472] {strides = array<i32>} : memref<512xf32, #tpu.memory_space<vmem>>, vector<16xf32>,
    %get3A_474 = vector.shape_cast %get3A_473 : vector<16xf32> to vector<16xf32>
    %get3A_475 = arith.constant 304 : index
    %get3A_476 = tpu.vector_load %arg8[%get3A_475] {strides = array<i32>} : memref<512xf32, #tpu.memory_space<vmem>>, vector<16xf32>,
    %get3A_477 = vector.shape_cast %get3A_476 : vector<16xf32> to vector<16xf32>
    %sub3A_478 = arith.subf %get3A_29, %get3A_477 : vector<16xf32>
    %mul3A_479 = arith.mulf %get3A_474, %sub3A_478 : vector<16xf32>
    %neg3A_480 = arith.constant 0.000000e+00 : f32
    %neg3A_481 = vector.broadcast %neg3A_480 : f32 to vector<16xf32>
    %neg3A_482 = arith.subf %neg3A_481, %mul3A_479 : vector<16xf32>
    %exp3A_483 = math.exp %neg3A_482 : vector<16xf32>
    %add3A_484 = arith.constant 1.000000e+00 : f32
    %add3A_485 = vector.broadcast %add3A_484 : f32 to vector<16xf32>
    %add3A_486 = arith.addf %add3A_485, %exp3A_483 : vector<16xf32>
    %div3A_487 = arith.constant 1.000000e+00 : f32
    %div3A_488 = vector.broadcast %div3A_487 : f32 to vector<16xf32>
    %div3A_489 = arith.divf %div3A_488, %add3A_486 : vector<16xf32>
    %swap3A_490 = arith.constant 304 : index
    %swap3A_491 = tpu.vector_load %arg8[%swap3A_490] {strides = array<i32>} : memref<512xf32, #tpu.memory_space<vmem>>, vector<16xf32>,
    %swap3A_492 = vector.shape_cast %swap3A_491 : vector<16xf32> to vector<16xf32>
    %swap3A_493 = vector.shape_cast %div3A_489 : vector<16xf32> to vector<16xf32>
    tpu.vector_store %arg8[%swap3A_490], %swap3A_493 {strides = array<i32>} : memref<512xf32, #tpu.memory_space<vmem>>, vector<16xf32>,
    %get3A_494 = arith.constant 320 : index
    %get3A_495 = tpu.vector_load %arg9[%get3A_494] {strides = array<i32>} : memref<512xf32, #tpu.memory_space<vmem>>, vector<16xf32>,
    %get3A_496 = vector.shape_cast %get3A_495 : vector<16xf32> to vector<16xf32>
    %get3A_497 = arith.constant 320 : index
    %get3A_498 = tpu.vector_load %arg8[%get3A_497] {strides = array<i32>} : memref<512xf32, #tpu.memory_space<vmem>>, vector<16xf32>,
    %get3A_499 = vector.shape_cast %get3A_498 : vector<16xf32> to vector<16xf32>
    %sub3A_500 = arith.subf %get3A_29, %get3A_499 : vector<16xf32>
    %mul3A_501 = arith.mulf %get3A_496, %sub3A_500 : vector<16xf32>
    %neg3A_502 = arith.constant 0.000000e+00 : f32
    %neg3A_503 = vector.broadcast %neg3A_502 : f32 to vector<16xf32>
    %neg3A_504 = arith.subf %neg3A_503, %mul3A_501 : vector<16xf32>
    %exp3A_505 = math.exp %neg3A_504 : vector<16xf32>
    %add3A_506 = arith.constant 1.000000e+00 : f32
    %add3A_507 = vector.broadcast %add3A_506 : f32 to vector<16xf32>
    %add3A_508 = arith.addf %add3A_507, %exp3A_505 : vector<16xf32>
    %div3A_509 = arith.constant 1.000000e+00 : f32
    %div3A_510 = vector.broadcast %div3A_509 : f32 to vector<16xf32>
    %div3A_511 = arith.divf %div3A_510, %add3A_508 : vector<16xf32>
    %swap3A_512 = arith.constant 320 : index
    %swap3A_513 = tpu.vector_load %arg8[%swap3A_512] {strides = array<i32>} : memref<512xf32, #tpu.memory_space<vmem>>, vector<16xf32>,
    %swap3A_514 = vector.shape_cast %swap3A_513 : vector<16xf32> to vector<16xf32>
    %swap3A_515 = vector.shape_cast %div3A_511 : vector<16xf32> to vector<16xf32>
    tpu.vector_store %arg8[%swap3A_512], %swap3A_515 {strides = array<i32>} : memref<512xf32, #tpu.memory_space<vmem>>, vector<16xf32>,
    %get3A_516 = arith.constant 336 : index
    %get3A_517 = tpu.vector_load %arg9[%get3A_516] {strides = array<i32>} : memref<512xf32, #tpu.memory_space<vmem>>, vector<16xf32>,
    %get3A_518 = vector.shape_cast %get3A_517 : vector<16xf32> to vector<16xf32>
    %get3A_519 = arith.constant 336 : index
    %get3A_520 = tpu.vector_load %arg8[%get3A_519] {strides = array<i32>} : memref<512xf32, #tpu.memory_space<vmem>>, vector<16xf32>,
    %get3A_521 = vector.shape_cast %get3A_520 : vector<16xf32> to vector<16xf32>
    %sub3A_522 = arith.subf %get3A_29, %get3A_521 : vector<16xf32>
    %mul3A_523 = arith.mulf %get3A_518, %sub3A_522 : vector<16xf32>
    %neg3A_524 = arith.constant 0.000000e+00 : f32
    %neg3A_525 = vector.broadcast %neg3A_524 : f32 to vector<16xf32>
    %neg3A_526 = arith.subf %neg3A_525, %mul3A_523 : vector<16xf32>
    %exp3A_527 = math.exp %neg3A_526 : vector<16xf32>
    %add3A_528 = arith.constant 1.000000e+00 : f32
    %add3A_529 = vector.broadcast %add3A_528 : f32 to vector<16xf32>
    %add3A_530 = arith.addf %add3A_529, %exp3A_527 : vector<16xf32>
    %div3A_531 = arith.constant 1.000000e+00 : f32
    %div3A_532 = vector.broadcast %div3A_531 : f32 to vector<16xf32>
    %div3A_533 = arith.divf %div3A_532, %add3A_530 : vector<16xf32>
    %swap3A_534 = arith.constant 336 : index
    %swap3A_535 = tpu.vector_load %arg8[%swap3A_534] {strides = array<i32>} : memref<512xf32, #tpu.memory_space<vmem>>, vector<16xf32>,
    %swap3A_536 = vector.shape_cast %swap3A_535 : vector<16xf32> to vector<16xf32>
    %swap3A_537 = vector.shape_cast %div3A_533 : vector<16xf32> to vector<16xf32>
    tpu.vector_store %arg8[%swap3A_534], %swap3A_537 {strides = array<i32>} : memref<512xf32, #tpu.memory_space<vmem>>, vector<16xf32>,
    %get3A_538 = arith.constant 352 : index
    %get3A_539 = tpu.vector_load %arg9[%get3A_538] {strides = array<i32>} : memref<512xf32, #tpu.memory_space<vmem>>, vector<16xf32>,
    %get3A_540 = vector.shape_cast %get3A_539 : vector<16xf32> to vector<16xf32>
    %get3A_541 = arith.constant 352 : index
    %get3A_542 = tpu.vector_load %arg8[%get3A_541] {strides = array<i32>} : memref<512xf32, #tpu.memory_space<vmem>>, vector<16xf32>,
    %get3A_543 = vector.shape_cast %get3A_542 : vector<16xf32> to vector<16xf32>
    %sub3A_544 = arith.subf %get3A_29, %get3A_543 : vector<16xf32>
    %mul3A_545 = arith.mulf %get3A_540, %sub3A_544 : vector<16xf32>
    %neg3A_546 = arith.constant 0.000000e+00 : f32
    %neg3A_547 = vector.broadcast %neg3A_546 : f32 to vector<16xf32>
    %neg3A_548 = arith.subf %neg3A_547, %mul3A_545 : vector<16xf32>
    %exp3A_549 = math.exp %neg3A_548 : vector<16xf32>
    %add3A_550 = arith.constant 1.000000e+00 : f32
    %add3A_551 = vector.broadcast %add3A_550 : f32 to vector<16xf32>
    %add3A_552 = arith.addf %add3A_551, %exp3A_549 : vector<16xf32>
    %div3A_553 = arith.constant 1.000000e+00 : f32
    %div3A_554 = vector.broadcast %div3A_553 : f32 to vector<16xf32>
    %div3A_555 = arith.divf %div3A_554, %add3A_552 : vector<16xf32>
    %swap3A_556 = arith.constant 352 : index
    %swap3A_557 = tpu.vector_load %arg8[%swap3A_556] {strides = array<i32>} : memref<512xf32, #tpu.memory_space<vmem>>, vector<16xf32>,
    %swap3A_558 = vector.shape_cast %swap3A_557 : vector<16xf32> to vector<16xf32>
    %swap3A_559 = vector.shape_cast %div3A_555 : vector<16xf32> to vector<16xf32>
    tpu.vector_store %arg8[%swap3A_556], %swap3A_559 {strides = array<i32>} : memref<512xf32, #tpu.memory_space<vmem>>, vector<16xf32>,
    %get3A_560 = arith.constant 368 : index
    %get3A_561 = tpu.vector_load %arg9[%get3A_560] {strides = array<i32>} : memref<512xf32, #tpu.memory_space<vmem>>, vector<16xf32>,
    %get3A_562 = vector.shape_cast %get3A_561 : vector<16xf32> to vector<16xf32>
    %get3A_563 = arith.constant 368 : index
    %get3A_564 = tpu.vector_load %arg8[%get3A_563] {strides = array<i32>} : memref<512xf32, #tpu.memory_space<vmem>>, vector<16xf32>,
    %get3A_565 = vector.shape_cast %get3A_564 : vector<16xf32> to vector<16xf32>
    %sub3A_566 = arith.subf %get3A_29, %get3A_565 : vector<16xf32>
    %mul3A_567 = arith.mulf %get3A_562, %sub3A_566 : vector<16xf32>
    %neg3A_568 = arith.constant 0.000000e+00 : f32
    %neg3A_569 = vector.broadcast %neg3A_568 : f32 to vector<16xf32>
    %neg3A_570 = arith.subf %neg3A_569, %mul3A_567 : vector<16xf32>
    %exp3A_571 = math.exp %neg3A_570 : vector<16xf32>
    %add3A_572 = arith.constant 1.000000e+00 : f32
    %add3A_573 = vector.broadcast %add3A_572 : f32 to vector<16xf32>
    %add3A_574 = arith.addf %add3A_573, %exp3A_571 : vector<16xf32>
    %div3A_575 = arith.constant 1.000000e+00 : f32
    %div3A_576 = vector.broadcast %div3A_575 : f32 to vector<16xf32>
    %div3A_577 = arith.divf %div3A_576, %add3A_574 : vector<16xf32>
    %swap3A_578 = arith.constant 368 : index
    %swap3A_579 = tpu.vector_load %arg8[%swap3A_578] {strides = array<i32>} : memref<512xf32, #tpu.memory_space<vmem>>, vector<16xf32>,
    %swap3A_580 = vector.shape_cast %swap3A_579 : vector<16xf32> to vector<16xf32>
    %swap3A_581 = vector.shape_cast %div3A_577 : vector<16xf32> to vector<16xf32>
    tpu.vector_store %arg8[%swap3A_578], %swap3A_581 {strides = array<i32>} : memref<512xf32, #tpu.memory_space<vmem>>, vector<16xf32>,
    %get3A_582 = arith.constant 384 : index
    %get3A_583 = tpu.vector_load %arg9[%get3A_582] {strides = array<i32>} : memref<512xf32, #tpu.memory_space<vmem>>, vector<16xf32>,
    %get3A_584 = vector.shape_cast %get3A_583 : vector<16xf32> to vector<16xf32>
    %get3A_585 = arith.constant 384 : index
    %get3A_586 = tpu.vector_load %arg8[%get3A_585] {strides = array<i32>} : memref<512xf32, #tpu.memory_space<vmem>>, vector<16xf32>,
    %get3A_587 = vector.shape_cast %get3A_586 : vector<16xf32> to vector<16xf32>
    %sub3A_588 = arith.subf %get3A_29, %get3A_587 : vector<16xf32>
    %mul3A_589 = arith.mulf %get3A_584, %sub3A_588 : vector<16xf32>
    %neg3A_590 = arith.constant 0.000000e+00 : f32
    %neg3A_591 = vector.broadcast %neg3A_590 : f32 to vector<16xf32>
    %neg3A_592 = arith.subf %neg3A_591, %mul3A_589 : vector<16xf32>
    %exp3A_593 = math.exp %neg3A_592 : vector<16xf32>
    %add3A_594 = arith.constant 1.000000e+00 : f32
    %add3A_595 = vector.broadcast %add3A_594 : f32 to vector<16xf32>
    %add3A_596 = arith.addf %add3A_595, %exp3A_593 : vector<16xf32>
    %div3A_597 = arith.constant 1.000000e+00 : f32
    %div3A_598 = vector.broadcast %div3A_597 : f32 to vector<16xf32>
    %div3A_599 = arith.divf %div3A_598, %add3A_596 : vector<16xf32>
    %swap3A_600 = arith.constant 384 : index
    %swap3A_601 = tpu.vector_load %arg8[%swap3A_600] {strides = array<i32>} : memref<512xf32, #tpu.memory_space<vmem>>, vector<16xf32>,
    %swap3A_602 = vector.shape_cast %swap3A_601 : vector<16xf32> to vector<16xf32>
    %swap3A_603 = vector.shape_cast %div3A_599 : vector<16xf32> to vector<16xf32>
    tpu.vector_store %arg8[%swap3A_600], %swap3A_603 {strides = array<i32>} : memref<512xf32, #tpu.memory_space<vmem>>, vector<16xf32>,
    %get3A_604 = arith.constant 400 : index
    %get3A_605 = tpu.vector_load %arg9[%get3A_604] {strides = array<i32>} : memref<512xf32, #tpu.memory_space<vmem>>, vector<16xf32>,
    %get3A_606 = vector.shape_cast %get3A_605 : vector<16xf32> to vector<16xf32>
    %get3A_607 = arith.constant 400 : index
    %get3A_608 = tpu.vector_load %arg8[%get3A_607] {strides = array<i32>} : memref<512xf32, #tpu.memory_space<vmem>>, vector<16xf32>,
    %get3A_609 = vector.shape_cast %get3A_608 : vector<16xf32> to vector<16xf32>
    %sub3A_610 = arith.subf %get3A_29, %get3A_609 : vector<16xf32>
    %mul3A_611 = arith.mulf %get3A_606, %sub3A_610 : vector<16xf32>
    %neg3A_612 = arith.constant 0.000000e+00 : f32
    %neg3A_613 = vector.broadcast %neg3A_612 : f32 to vector<16xf32>
    %neg3A_614 = arith.subf %neg3A_613, %mul3A_611 : vector<16xf32>
    %exp3A_615 = math.exp %neg3A_614 : vector<16xf32>
    %add3A_616 = arith.constant 1.000000e+00 : f32
    %add3A_617 = vector.broadcast %add3A_616 : f32 to vector<16xf32>
    %add3A_618 = arith.addf %add3A_617, %exp3A_615 : vector<16xf32>
    %div3A_619 = arith.constant 1.000000e+00 : f32
    %div3A_620 = vector.broadcast %div3A_619 : f32 to vector<16xf32>
    %div3A_621 = arith.divf %div3A_620, %add3A_618 : vector<16xf32>
    %swap3A_622 = arith.constant 400 : index
    %swap3A_623 = tpu.vector_load %arg8[%swap3A_622] {strides = array<i32>} : memref<512xf32, #tpu.memory_space<vmem>>, vector<16xf32>,
    %swap3A_624 = vector.shape_cast %swap3A_623 : vector<16xf32> to vector<16xf32>
    %swap3A_625 = vector.shape_cast %div3A_621 : vector<16xf32> to vector<16xf32>
    tpu.vector_store %arg8[%swap3A_622], %swap3A_625 {strides = array<i32>} : memref<512xf32, #tpu.memory_space<vmem>>, vector<16xf32>,
    %get3A_626 = arith.constant 416 : index
    %get3A_627 = tpu.vector_load %arg9[%get3A_626] {strides = array<i32>} : memref<512xf32, #tpu.memory_space<vmem>>, vector<16xf32>,
    %get3A_628 = vector.shape_cast %get3A_627 : vector<16xf32> to vector<16xf32>
    %get3A_629 = arith.constant 416 : index
    %get3A_630 = tpu.vector_load %arg8[%get3A_629] {strides = array<i32>} : memref<512xf32, #tpu.memory_space<vmem>>, vector<16xf32>,
    %get3A_631 = vector.shape_cast %get3A_630 : vector<16xf32> to vector<16xf32>
    %sub3A_632 = arith.subf %get3A_29, %get3A_631 : vector<16xf32>
    %mul3A_633 = arith.mulf %get3A_628, %sub3A_632 : vector<16xf32>
    %neg3A_634 = arith.constant 0.000000e+00 : f32
    %neg3A_635 = vector.broadcast %neg3A_634 : f32 to vector<16xf32>
    %neg3A_636 = arith.subf %neg3A_635, %mul3A_633 : vector<16xf32>
    %exp3A_637 = math.exp %neg3A_636 : vector<16xf32>
    %add3A_638 = arith.constant 1.000000e+00 : f32
    %add3A_639 = vector.broadcast %add3A_638 : f32 to vector<16xf32>
    %add3A_640 = arith.addf %add3A_639, %exp3A_637 : vector<16xf32>
    %div3A_641 = arith.constant 1.000000e+00 : f32
    %div3A_642 = vector.broadcast %div3A_641 : f32 to vector<16xf32>
    %div3A_643 = arith.divf %div3A_642, %add3A_640 : vector<16xf32>
    %swap3A_644 = arith.constant 416 : index
    %swap3A_645 = tpu.vector_load %arg8[%swap3A_644] {strides = array<i32>} : memref<512xf32, #tpu.memory_space<vmem>>, vector<16xf32>,
    %swap3A_646 = vector.shape_cast %swap3A_645 : vector<16xf32> to vector<16xf32>
    %swap3A_647 = vector.shape_cast %div3A_643 : vector<16xf32> to vector<16xf32>
    tpu.vector_store %arg8[%swap3A_644], %swap3A_647 {strides = array<i32>} : memref<512xf32, #tpu.memory_space<vmem>>, vector<16xf32>,
    %get3A_648 = arith.constant 432 : index
    %get3A_649 = tpu.vector_load %arg9[%get3A_648] {strides = array<i32>} : memref<512xf32, #tpu.memory_space<vmem>>, vector<16xf32>,
    %get3A_650 = vector.shape_cast %get3A_649 : vector<16xf32> to vector<16xf32>
    %get3A_651 = arith.constant 432 : index
    %get3A_652 = tpu.vector_load %arg8[%get3A_651] {strides = array<i32>} : memref<512xf32, #tpu.memory_space<vmem>>, vector<16xf32>,
    %get3A_653 = vector.shape_cast %get3A_652 : vector<16xf32> to vector<16xf32>
    %sub3A_654 = arith.subf %get3A_29, %get3A_653 : vector<16xf32>
    %mul3A_655 = arith.mulf %get3A_650, %sub3A_654 : vector<16xf32>
    %neg3A_656 = arith.constant 0.000000e+00 : f32
    %neg3A_657 = vector.broadcast %neg3A_656 : f32 to vector<16xf32>
    %neg3A_658 = arith.subf %neg3A_657, %mul3A_655 : vector<16xf32>
    %exp3A_659 = math.exp %neg3A_658 : vector<16xf32>
    %add3A_660 = arith.constant 1.000000e+00 : f32
    %add3A_661 = vector.broadcast %add3A_660 : f32 to vector<16xf32>
    %add3A_662 = arith.addf %add3A_661, %exp3A_659 : vector<16xf32>
    %div3A_663 = arith.constant 1.000000e+00 : f32
    %div3A_664 = vector.broadcast %div3A_663 : f32 to vector<16xf32>
    %div3A_665 = arith.divf %div3A_664, %add3A_662 : vector<16xf32>
    %swap3A_666 = arith.constant 432 : index
    %swap3A_667 = tpu.vector_load %arg8[%swap3A_666] {strides = array<i32>} : memref<512xf32, #tpu.memory_space<vmem>>, vector<16xf32>,
    %swap3A_668 = vector.shape_cast %swap3A_667 : vector<16xf32> to vector<16xf32>
    %swap3A_669 = vector.shape_cast %div3A_665 : vector<16xf32> to vector<16xf32>
    tpu.vector_store %arg8[%swap3A_666], %swap3A_669 {strides = array<i32>} : memref<512xf32, #tpu.memory_space<vmem>>, vector<16xf32>,
    %get3A_670 = arith.constant 448 : index
    %get3A_671 = tpu.vector_load %arg9[%get3A_670] {strides = array<i32>} : memref<512xf32, #tpu.memory_space<vmem>>, vector<16xf32>,
    %get3A_672 = vector.shape_cast %get3A_671 : vector<16xf32> to vector<16xf32>
    %get3A_673 = arith.constant 448 : index
    %get3A_674 = tpu.vector_load %arg8[%get3A_673] {strides = array<i32>} : memref<512xf32, #tpu.memory_space<vmem>>, vector<16xf32>,
    %get3A_675 = vector.shape_cast %get3A_674 : vector<16xf32> to vector<16xf32>
    %sub3A_676 = arith.subf %get3A_29, %get3A_675 : vector<16xf32>
    %mul3A_677 = arith.mulf %get3A_672, %sub3A_676 : vector<16xf32>
    %neg3A_678 = arith.constant 0.000000e+00 : f32
    %neg3A_679 = vector.broadcast %neg3A_678 : f32 to vector<16xf32>
    %neg3A_680 = arith.subf %neg3A_679, %mul3A_677 : vector<16xf32>
    %exp3A_681 = math.exp %neg3A_680 : vector<16xf32>
    %add3A_682 = arith.constant 1.000000e+00 : f32
    %add3A_683 = vector.broadcast %add3A_682 : f32 to vector<16xf32>
    %add3A_684 = arith.addf %add3A_683, %exp3A_681 : vector<16xf32>
    %div3A_685 = arith.constant 1.000000e+00 : f32
    %div3A_686 = vector.broadcast %div3A_685 : f32 to vector<16xf32>
    %div3A_687 = arith.divf %div3A_686, %add3A_684 : vector<16xf32>
    %swap3A_688 = arith.constant 448 : index
    %swap3A_689 = tpu.vector_load %arg8[%swap3A_688] {strides = array<i32>} : memref<512xf32, #tpu.memory_space<vmem>>, vector<16xf32>,
    %swap3A_690 = vector.shape_cast %swap3A_689 : vector<16xf32> to vector<16xf32>
    %swap3A_691 = vector.shape_cast %div3A_687 : vector<16xf32> to vector<16xf32>
    tpu.vector_store %arg8[%swap3A_688], %swap3A_691 {strides = array<i32>} : memref<512xf32, #tpu.memory_space<vmem>>, vector<16xf32>,
    %get3A_692 = arith.constant 464 : index
    %get3A_693 = tpu.vector_load %arg9[%get3A_692] {strides = array<i32>} : memref<512xf32, #tpu.memory_space<vmem>>, vector<16xf32>,
    %get3A_694 = vector.shape_cast %get3A_693 : vector<16xf32> to vector<16xf32>
    %get3A_695 = arith.constant 464 : index
    %get3A_696 = tpu.vector_load %arg8[%get3A_695] {strides = array<i32>} : memref<512xf32, #tpu.memory_space<vmem>>, vector<16xf32>,
    %get3A_697 = vector.shape_cast %get3A_696 : vector<16xf32> to vector<16xf32>
    %sub3A_698 = arith.subf %get3A_29, %get3A_697 : vector<16xf32>
    %mul3A_699 = arith.mulf %get3A_694, %sub3A_698 : vector<16xf32>
    %neg3A_700 = arith.constant 0.000000e+00 : f32
    %neg3A_701 = vector.broadcast %neg3A_700 : f32 to vector<16xf32>
    %neg3A_702 = arith.subf %neg3A_701, %mul3A_699 : vector<16xf32>
    %exp3A_703 = math.exp %neg3A_702 : vector<16xf32>
    %add3A_704 = arith.constant 1.000000e+00 : f32
    %add3A_705 = vector.broadcast %add3A_704 : f32 to vector<16xf32>
    %add3A_706 = arith.addf %add3A_705, %exp3A_703 : vector<16xf32>
    %div3A_707 = arith.constant 1.000000e+00 : f32
    %div3A_708 = vector.broadcast %div3A_707 : f32 to vector<16xf32>
    %div3A_709 = arith.divf %div3A_708, %add3A_706 : vector<16xf32>
    %swap3A_710 = arith.constant 464 : index
    %swap3A_711 = tpu.vector_load %arg8[%swap3A_710] {strides = array<i32>} : memref<512xf32, #tpu.memory_space<vmem>>, vector<16xf32>,
    %swap3A_712 = vector.shape_cast %swap3A_711 : vector<16xf32> to vector<16xf32>
    %swap3A_713 = vector.shape_cast %div3A_709 : vector<16xf32> to vector<16xf32>
    tpu.vector_store %arg8[%swap3A_710], %swap3A_713 {strides = array<i32>} : memref<512xf32, #tpu.memory_space<vmem>>, vector<16xf32>,
    %get3A_714 = arith.constant 480 : index
    %get3A_715 = tpu.vector_load %arg9[%get3A_714] {strides = array<i32>} : memref<512xf32, #tpu.memory_space<vmem>>, vector<16xf32>,
    %get3A_716 = vector.shape_cast %get3A_715 : vector<16xf32> to vector<16xf32>
    %get3A_717 = arith.constant 480 : index
    %get3A_718 = tpu.vector_load %arg8[%get3A_717] {strides = array<i32>} : memref<512xf32, #tpu.memory_space<vmem>>, vector<16xf32>,
    %get3A_719 = vector.shape_cast %get3A_718 : vector<16xf32> to vector<16xf32>
    %sub3A_720 = arith.subf %get3A_29, %get3A_719 : vector<16xf32>
    %mul3A_721 = arith.mulf %get3A_716, %sub3A_720 : vector<16xf32>
    %neg3A_722 = arith.constant 0.000000e+00 : f32
    %neg3A_723 = vector.broadcast %neg3A_722 : f32 to vector<16xf32>
    %neg3A_724 = arith.subf %neg3A_723, %mul3A_721 : vector<16xf32>
    %exp3A_725 = math.exp %neg3A_724 : vector<16xf32>
    %add3A_726 = arith.constant 1.000000e+00 : f32
    %add3A_727 = vector.broadcast %add3A_726 : f32 to vector<16xf32>
    %add3A_728 = arith.addf %add3A_727, %exp3A_725 : vector<16xf32>
    %div3A_729 = arith.constant 1.000000e+00 : f32
    %div3A_730 = vector.broadcast %div3A_729 : f32 to vector<16xf32>
    %div3A_731 = arith.divf %div3A_730, %add3A_728 : vector<16xf32>
    %swap3A_732 = arith.constant 480 : index
    %swap3A_733 = tpu.vector_load %arg8[%swap3A_732] {strides = array<i32>} : memref<512xf32, #tpu.memory_space<vmem>>, vector<16xf32>,
    %swap3A_734 = vector.shape_cast %swap3A_733 : vector<16xf32> to vector<16xf32>
    %swap3A_735 = vector.shape_cast %div3A_731 : vector<16xf32> to vector<16xf32>
    tpu.vector_store %arg8[%swap3A_732], %swap3A_735 {strides = array<i32>} : memref<512xf32, #tpu.memory_space<vmem>>, vector<16xf32>,
    %get3A_736 = arith.constant 496 : index
    %get3A_737 = tpu.vector_load %arg9[%get3A_736] {strides = array<i32>} : memref<512xf32, #tpu.memory_space<vmem>>, vector<16xf32>,
    %get3A_738 = vector.shape_cast %get3A_737 : vector<16xf32> to vector<16xf32>
    %get3A_739 = arith.constant 496 : index
    %get3A_740 = tpu.vector_load %arg8[%get3A_739] {strides = array<i32>} : memref<512xf32, #tpu.memory_space<vmem>>, vector<16xf32>,
    %get3A_741 = vector.shape_cast %get3A_740 : vector<16xf32> to vector<16xf32>
    %sub3A_742 = arith.subf %get3A_29, %get3A_741 : vector<16xf32>
    %mul3A_743 = arith.mulf %get3A_738, %sub3A_742 : vector<16xf32>
    %neg3A_744 = arith.constant 0.000000e+00 : f32
    %neg3A_745 = vector.broadcast %neg3A_744 : f32 to vector<16xf32>
    %neg3A_746 = arith.subf %neg3A_745, %mul3A_743 : vector<16xf32>
    %exp3A_747 = math.exp %neg3A_746 : vector<16xf32>
    %add3A_748 = arith.constant 1.000000e+00 : f32
    %add3A_749 = vector.broadcast %add3A_748 : f32 to vector<16xf32>
    %add3A_750 = arith.addf %add3A_749, %exp3A_747 : vector<16xf32>
    %div3A_751 = arith.constant 1.000000e+00 : f32
    %div3A_752 = vector.broadcast %div3A_751 : f32 to vector<16xf32>
    %div3A_753 = arith.divf %div3A_752, %add3A_750 : vector<16xf32>
    %swap3A_754 = arith.constant 496 : index
    %swap3A_755 = tpu.vector_load %arg8[%swap3A_754] {strides = array<i32>} : memref<512xf32, #tpu.memory_space<vmem>>, vector<16xf32>,
    %swap3A_756 = vector.shape_cast %swap3A_755 : vector<16xf32> to vector<16xf32>
    %swap3A_757 = vector.shape_cast %div3A_753 : vector<16xf32> to vector<16xf32>
    tpu.vector_store %arg8[%swap3A_754], %swap3A_757 {strides = array<i32>} : memref<512xf32, #tpu.memory_space<vmem>>, vector<16xf32>,
    %add3A_758 = arith.constant 256 : i32
    %add3A_759 = arith.addi %mul3A_2, %add3A_758 : i32
    %dma_start3A_760 = arith.constant 256 : i32
    %dma_start3A_761 = tpu.memref_slice %arg8[%dma_start3A_760] : memref<512xf32, #tpu.memory_space<vmem>> -> memref<256xf32, #tpu.memory_space<vmem>>
    %dma_start3A_762 = tpu.memref_slice %arg6[%add3A_759] : memref<16384xf32, #tpu.memory_space<hbm>> -> memref<256xf32, #tpu.memory_space<hbm>>
    %dma_start3A_763 = tpu.memref_slice %arg6[%add3A_759] : memref<16384xf32, #tpu.memory_space<hbm>> -> memref<256xf32, #tpu.memory_space<hbm>>
    %dma_start3A_764 = arith.constant 256 : i32
    %dma_start3A_765 = tpu.memref_slice %arg8[%dma_start3A_764] : memref<512xf32, #tpu.memory_space<vmem>> -> memref<256xf32, #tpu.memory_space<vmem>>
    tpu.enqueue_dma source(%dma_start3A_765 : memref<256xf32, #tpu.memory_space<vmem>>) target(%dma_start3A_763 : memref<256xf32, #tpu.memory_space<hbm>>) target_semaphore(%arg13 : memref<!tpu.dma_semaphore, #tpu.memory_space<semaphore_mem>>)
    %dma_wait3A_766 = arith.constant 0 : i32
    %dma_wait3A_767 = tpu.memref_slice %arg8[%dma_wait3A_766] : memref<512xf32, #tpu.memory_space<vmem>> -> memref<256xf32, #tpu.memory_space<vmem>>
    %dma_wait3A_768 = tpu.memref_slice %arg6[%mul3A_2] : memref<16384xf32, #tpu.memory_space<hbm>> -> memref<256xf32, #tpu.memory_space<hbm>>
    %dma_wait3A_769 = tpu.memref_slice %arg6[%mul3A_2] : memref<16384xf32, #tpu.memory_space<hbm>> -> memref<256xf32, #tpu.memory_space<hbm>>
    %dma_wait3A_770 = arith.constant 0 : i32
    %dma_wait3A_771 = tpu.memref_slice %arg8[%dma_wait3A_770] : memref<512xf32, #tpu.memory_space<vmem>> -> memref<256xf32, #tpu.memory_space<vmem>>
    tpu.wait_dma2 semaphore(%arg13 : memref<!tpu.dma_semaphore, #tpu.memory_space<semaphore_mem>>) src(%dma_wait3A_771 : memref<256xf32, #tpu.memory_space<vmem>>) dst(%dma_wait3A_769 : memref<256xf32, #tpu.memory_space<hbm>>)
    %dma_wait3A_772 = arith.constant 256 : i32
    %dma_wait3A_773 = tpu.memref_slice %arg8[%dma_wait3A_772] : memref<512xf32, #tpu.memory_space<vmem>> -> memref<256xf32, #tpu.memory_space<vmem>>
    %dma_wait3A_774 = tpu.memref_slice %arg6[%add3A_759] : memref<16384xf32, #tpu.memory_space<hbm>> -> memref<256xf32, #tpu.memory_space<hbm>>
    %dma_wait3A_775 = tpu.memref_slice %arg6[%add3A_759] : memref<16384xf32, #tpu.memory_space<hbm>> -> memref<256xf32, #tpu.memory_space<hbm>>
    %dma_wait3A_776 = arith.constant 256 : i32
    %dma_wait3A_777 = tpu.memref_slice %arg8[%dma_wait3A_776] : memref<512xf32, #tpu.memory_space<vmem>> -> memref<256xf32, #tpu.memory_space<vmem>>
    tpu.wait_dma2 semaphore(%arg13 : memref<!tpu.dma_semaphore, #tpu.memory_space<semaphore_mem>>) src(%dma_wait3A_777 : memref<256xf32, #tpu.memory_space<vmem>>) dst(%dma_wait3A_775 : memref<256xf32, #tpu.memory_space<hbm>>)
    return
  }
}

</mosaic_0001>

<sc_bundles>
// kernel: _irt_sc.3.cloned.1.call-start
scs
__scs_entry_jumppad:
0x0: {  	(pc) =	sbr.rel $0x88, $3  }
0x1: {  	(tag) =	ssettag $0x0;
	lr =	simm.s32 $0x1  }
0x2: {  	[smem:$0x3F9D] =	sst lr;
	_ =	strace $0xD0000000  }
0x3: {  	_ = 	snop  }
0x4: {  	_ = 	snop  }
0x5: {  	_ = 	snop  }
0x6: {  	_ = 	snop  }
0x7: {  	_ = 	snop  }
__scs_overlays_trampoline_lowered:
0x8: {  	[smem:$0x3FAC] =	sst s0  }
0x9: {  	[smem:$0x3FAD] =	sst s1  }
0xa: {  	[smem:$0x3FAE] =	sst s2  }
0xb: {  	[smem:$0x3FAF] =	sst s3  }
0xc: {  	[smem:$0x3FB0] =	sst s4  }
0xd: {  	[smem:$0x3FB1] =	sst s5  }
0xe: {  	[smem:$0x3FB2] =	sst s6  }
0xf: {  	[smem:$0x3FB3] =	sst s7  }
0x10: {  	[smem:$0x3FB4] =	sst s8  }
0x11: {  	[smem:$0x3FB5] =	sst s9;
	s0 =	simm.s32 @!p0 $0x0  }
0x12: {  	s1 =	sld [smem:$0x3F9B];
	s0 =	simm.s32 @p0 $0x1  }
0x13: {  	[smem:$0x3FB6] =	sst s0;
	s0 =	simm.s32 @!p1 $0x0  }
0x14: {  	s2 =	sld [smem:$0x3F9A];
	s0 =	simm.s32 @p1 $0x1  }
0x15: {  	[smem:$0x3FB7] =	sst s0;
	s0 =	simm.s32 @!p2 $0x0  }
0x16: {  	s3 =	sld [smem:$0x3FDB];
	s0 =	simm.s32 @p2 $0x1  }
0x17: {  	s4 =	simm.s32 $0x1BF5;
	[smem:$0x3FB9] =	sst s0  }
0x18: {  	s0 =	sld [smem:$0x3F9C];
	_ =	swait.ge [sflag:s4], $0x0  }
0x19: {  	s7 =	sld [smem:$0x3F9D]  }
0x1a: {  	s8 =	sadd.s32 $0xFFFFE003, lr  }
0x1b: {  	s9 =	sadd.s32 $0xFFFFFEF7, lr;
	s5 =	simm.s32 $0xFFFFFFFF;
	p2 =	slt.u32 s8, $0xFFFFF086  }
0x1c: {  	p1 =	slt.u32 s9, $0xF7A;
	s5 =	simm.s32 @!p2 $0x0  }
0x1d: {  	s5 =	simm.s32 @p1 $0x1;
	p0 =	seq.s32 s7, s2  }
0x1e: {  	s7 =	smul.u32 @!p0 $0xF7A, s2;
	p2 =	seq.s32 @!p0 s5, $0x0  }
0x1f: {  	s9 =	smul.u32 $0xF7A, s1;
	s8 =	simm.s32 @!p0 $0x1BF5;
	p2 =	por !p2, p0  }
0x20: {  	[sflag:s8] =	ssyncset.s32 @!p0 $0xFFFFF086;
	s6 =	sadd.s32 @!p0 s3, s7;
	s7 =	simm.s32 @!p0 $0x108  }
0x21: {  	s3 =	sadd.s32 s3, s9;
	s6 =	sadd.s32 @!p0 $0x88, s6;
	s7 =	simm.s32 @p2 $0x1082  }
0x22: {  	[simem:s7], [sflag:s8] =	dma.local @!p0 [hbm:s6], $0xF7A  }
0x23: {  	s9 =	sor.u32 $0xD0000000, s2;
	s6 =	simm.s32 $0x108;
	_ =	swait.ge @!p0 [sflag:s8], $0x0  }
0x24: {  	s3 =	sadd.s32 $0x88, s3;
	s6 =	simm.s32 @!p1 $0x1082;
	[sflag:s4] =	ssyncset.s32 $0xFFFFF086  }
0x25: {  	[simem:s6], [sflag:s4] =	dma.local [hbm:s3], $0xF7A  }
0x26: {  	[smem:$0x3F9D] =	sst s1;
	(tag) =	ssettag s2;
	_ =	strace s9  }
0x27: {  	s1 =	sld [smem:$0x3FAD]  }
0x28: {  	s2 =	sld [smem:$0x3FAE]  }
0x29: {  	s4 =	sld [smem:$0x3FB0]  }
0x2a: {  	p0 =	seq.s32 s5, $0x0;
	s5 =	sld [smem:$0x3FB1]  }
0x2b: {  	s6 =	sld [smem:$0x3FB2]  }
0x2c: {  	s7 =	sld [smem:$0x3FB3]  }
0x2d: {  	s3 =	simm.s32 $0x108;
	s8 =	sld [smem:$0x3FB4]  }
0x2e: {  	s3 =	simm.s32 @!p0 $0x1082;
	s9 =	sld [smem:$0x3FB5]  }
0x2f: {  	lr =	sadd.s32 s0, s3;
	s0 =	sld [smem:$0x3FAC]  }
0x30: {  	s3 =	sld [smem:$0x3FAF]  }
0x31: {  	[smem:$0x3FB8] =	sst s10  }
0x32: {  	s10 =	sld [smem:$0x3FB6];
	_ =	sdelay $0x3  }
0x33: {  	p0 =	seq.s32 s10, $0x1;
	s10 =	sld [smem:$0x3FB8];
	_ =	sdelay $0x3  }
0x34: {  	[smem:$0x3FB8] =	sst s10  }
0x35: {  	s10 =	sld [smem:$0x3FB7];
	_ =	sdelay $0x3  }
0x36: {  	p1 =	seq.s32 s10, $0x1;
	s10 =	sld [smem:$0x3FB8];
	_ =	sdelay $0x3  }
0x37: {  	[smem:$0x3FB8] =	sst s10  }
0x38: {  	s10 =	sld [smem:$0x3FB9]  }
0x39: {  	_ = 	snop;
	(pc) =	sbr.ind lr, $3  }
0x3a: {  	_ = 	snop  }
0x3b: {  	_ = 	snop  }
0x3c: {  	p2 =	seq.s32 s10, $0x1;
	s10 =	sld [smem:$0x3FB8]  }
0x3d: {  	_ =	shalt  }
0x3e: {  	_ =	shalt  }
0x3f: {  	_ =	shalt  }
0x40: {  	_ =	shalt  }
0x41: {  	_ =	shalt  }
0x42: {  	_ =	shalt  }
0x43: {  	_ =	shalt  }
0x44: {  	_ =	shalt  }
0x45: {  	_ =	shalt  }
0x46: {  	_ =	shalt  }
0x47: {  	_ =	shalt  }
0x48: {  	_ =	shalt  }
0x49: {  	_ =	shalt  }
0x4a: {  	_ =	shalt  }
0x4b: {  	_ =	shalt  }
0x4c: {  	_ =	shalt  }
0x4d: {  	_ =	shalt  }
0x4e: {  	_ =	shalt  }
0x4f: {  	_ =	shalt  }
0x50: {  	_ =	shalt  }
0x51: {  	_ =	shalt  }
0x52: {  	_ =	shalt  }
0x53: {  	_ =	shalt  }
0x54: {  	_ =	shalt  }
0x55: {  	_ =	shalt  }
0x56: {  	_ =	shalt  }
0x57: {  	_ =	shalt  }
0x58: {  	_ =	shalt  }
0x59: {  	_ =	shalt  }
0x5a: {  	_ =	shalt  }
0x5b: {  	_ =	shalt  }
0x5c: {  	_ =	shalt  }
0x5d: {  	_ =	shalt  }
0x5e: {  	_ =	shalt  }
0x5f: {  	_ =	shalt  }
0x60: {  	_ =	shalt  }
0x61: {  	_ =	shalt  }
0x62: {  	_ =	shalt  }
0x63: {  	_ =	shalt  }
0x64: {  	_ =	shalt  }
0x65: {  	_ =	shalt  }
0x66: {  	_ =	shalt  }
0x67: {  	_ =	shalt  }
0x68: {  	_ =	shalt  }
0x69: {  	_ =	shalt  }
0x6a: {  	_ =	shalt  }
0x6b: {  	_ =	shalt  }
0x6c: {  	_ =	shalt  }
0x6d: {  	_ =	shalt  }
0x6e: {  	_ =	shalt  }
0x6f: {  	_ =	shalt  }
0x70: {  	_ =	shalt  }
0x71: {  	_ =	shalt  }
0x72: {  	_ =	shalt  }
0x73: {  	_ =	shalt  }
0x74: {  	_ =	shalt  }
0x75: {  	_ =	shalt  }
0x76: {  	_ =	shalt  }
0x77: {  	_ =	shalt  }
0x78: {  	_ =	shalt  }
0x79: {  	_ =	shalt  }
0x7a: {  	_ =	shalt  }
0x7b: {  	_ =	shalt  }
0x7c: {  	_ =	shalt  }
0x7d: {  	_ =	shalt  }
0x7e: {  	_ =	shalt  }
0x7f: {  	_ =	shalt  }
0x80: {  	_ =	shalt  }
0x81: {  	_ =	shalt  }
0x82: {  	_ =	shalt  }
0x83: {  	_ =	shalt  }
0x84: {  	_ =	shalt  }
0x85: {  	_ =	shalt  }
0x86: {  	_ =	shalt  }
0x87: {  	_ =	shalt  }
.Lfunc_end0:
.L_simem_size_0:
called_computation_lowered:
.L_overlay_start_0:
0x88: {  	s2 =	sld [smem:$0x3FD9]  }
0x89: {  	s3 =	sld [smem:$0x3FFE];
	_ =	sdelay $0x1  }
0x8a: {  	s1 =	srdreg.scid  }
0x8b: {  	s0 =	sand.u32 $0x1, s1  }
0x8c: {  	s18 =	sshll.u32 s0, $0xA;
	s2 =	sadd.s32 s3, s2  }
0x8d: {  	s2 =	sadd.s32 s2, s18  }
0x8e: {  	[smem:$0x3FC4] =	sst s2  }
0x8f: {  	_ = 	snop  }
0x90: {  	s2 =	sld [smem:$0x3FC9]  }
0x91: {  	s19 =	sld [smem:$0x3FC8]  }
0x92: {  	s4 =	sld [smem:$0x3FC7]  }
0x93: {  	s5 =	sld [smem:$0x3FC6]  }
0x94: {  	s6 =	sld [smem:$0x3FD0];
	(tm) =	ssettm $0x1  }
0x95: {  	s7 =	sld [smem:$0x3FFB];
	_ =	sdelay $0x3  }
0x96: {  	_ =	strace s7  }
0x97: {  	s7 =	sld [smem:$0x3FFC];
	_ =	sdelay $0x3  }
0x98: {  	_ =	strace s7  }
0x99: {  	s7 =	sld [smem:$0x3FFD];
	_ =	sdelay $0x3  }
0x9a: {  	_ =	strace s7  }
0x9b: {  	_ =	strace $0x8FFFFFFF  }
0x9c: {  	s20 =	sld [smem:$0x3FDB];
	_ =	sdelay $0x1  }
0x9d: {  	s8 =	simm.s32 $_scs_section_size  }
0x9e: {  	s9 =	simm.s32 $_size__tile_overlayer_lowered;
	s10 =	simm.s32 $_tile_overlayer_lowered  }
0x9f: {  	s23 =	simm.s32 $0x1BFF;
	s22 =	sshll.u32 s10, $0x1;
	s7 =	sadd.s32 s8, s20  }
0xa0: {  	s11 =	simm.s32 $0x0;
	s21 =	sshll.u32 s9, $0x1;
	s9 =	sadd.s32 s22, s7  }
0xa1: {  	[timem:s11], [sflag:s23] =	dma.local [hbm:s9], s21  }
0xa2: {  	_ =	swait.ge [sflag:s23], s21  }
0xa3: {  	s8 =	ssub.s32 $0x0, s21;
	[sflag:s23] =	ssyncset.done $0x0  }
0xa4: {  	[sflag:s23] =	ssyncadd.s32 s8;
	_ =	sdelay $0x1  }
0xa5: {  	s24 =	simm.s32 $0x1B8B  }
0xa6: {  	_ =	swait.ge [sflag:s24], $0x1  }
0xa7: {  	[sflag:s24] =	ssyncset.done $0x0  }
0xa8: {  	s25 =	simm.s32 $0x1B8E;
	[sflag:s24] =	ssyncadd.s32 $0xFFFFFFFF  }
0xa9: {  	s26 =	simm.s32 $execute0_lowered;
	[smem:$0x3FD2] =	sst s25  }
0xaa: {  	s8 =	sshll.u32 s26, $0x1;
	_ =	strace $0x80000046;
	[dreg:$0x1] =	wrdreg $0xFFFFFFFF  }
0xab: {  	s28 =	simm.s32 $_size_execute0_lowered;
	s7 =	sadd.s32 s7, s8;
	[dreg:$0x0] =	wrdreg $0x0  }
0xac: {  	s8 =	sshll.u32 s28, $0x1;
	[dreg:$0x2] =	wrdreg s7  }
0xad: {  	[dreg:$0x3] =	wrdreg s8  }
0xae: {  	[dreg:$0x4] =	wrdreg $0xC0  }
0xaf: {  	_ =	task [dreg:s11], $0x5FFFF  }
0xb0: {  	[dreg:$0x1] =	wrdreg $0xFFFFFFFF  }
0xb1: {  	[dreg:$0x0] =	wrdreg $0x60  }
0xb2: {  	[dreg:$0x2] =	wrdreg s2  }
0xb3: {  	[dreg:$0x3] =	wrdreg s19  }
0xb4: {  	[dreg:$0x4] =	wrdreg s4  }
0xb5: {  	[dreg:$0x5] =	wrdreg s5  }
0xb6: {  	[dreg:$0x6] =	wrdreg s6  }
0xb7: {  	[dreg:$0x7] =	wrdreg $0x9  }
0xb8: {  	_ =	task.clear_ibuf [dreg:s11], $0x8FFFF;
	_ =	strace $0x90000046  }
0xb9: {  	s29 =	simm.s32 $0x9;
	_ =	strace $0x80000048  }
0xba: {  	_ =	swait.ge [sflag:s29], $0x1  }
0xbb: {  	[sflag:s29] =	ssyncadd.s32 $0xFFFFFFFF  }
0xbc: {  	_ =	strace $0x90000048  }
0xbd: {  	_ =	sfence  }
0xbe: {  	s30 =	sld [smem:$0x0];
	_ =	sdelay $0x2  }
0xbf: {  	s31 =	sshll.u32 s1, $0xD;
	s1 =	sshrl.u32 s1, $0x2  }
0xc0: {  	s3 =	sand.u32 $0x4000, s31;
	s1 =	sadd.s32 s1, s30  }
0xc1: {  	s0 =	sor.u32 s3, s0;
	s1 =	sshll.u32 s1, $0x11  }
0xc2: {  	s0 =	sor.u32 s1, s0  }
0xc3: {  	s0 =	sadd.s32 $0x8F2B, s0  }
0xc4: {  	[sflag:s0] =	ssyncadd.remote.s32 $0x1  }
0xc5: {  	_ =	sfence.sel $0xFFFF  }
0xc6: {  	[dreg:$0x0] =	wrdreg $0xFFFFFFFF;
	(pc) =	sbr.abs _section_cstart, $3  }
0xc7: {  	[dreg:$0x1] =	wrdreg $0xFFFFFFFF  }
0xc8: {  	_ =	task.clear_ibuf [dreg:s11], $0x2FFFF;
	_ =	strace $0x9FFFFFFF  }
0xc9: {  	(tm) =	ssettm $0x7FFFFFFF  }
tec
execute0_lowered:
.L_overlay_start_1:
0x0: {  	(tag) =	ssettag $0x1  }
0x1: {  	s7 =	rddreg [dreg:$0x0]  }
0x2: {  	s1 =	rddreg [dreg:$0x1]  }
0x3: {  	s2 =	rddreg [dreg:$0x2]  }
0x4: {  	s3 =	rddreg [dreg:$0x3]  }
0x5: {  	s9 =	rddreg [dreg:$0x4]  }
0x6: {  	s0 =	rddreg [dreg:$0x5];
	s6 =	srdreg.scid  }
0x7: {  	s5 =	simm.s32 $0x0;
	s4 =	stileid.u32;
	s13 =	simm.s32 $0x200  }
0x8: {  	s14 =	simm.s32 $0x400;
	s15 =	simm.s32 $0x300;
	s16 =	simm.s32 $0x500  }
0x9: {  	s17 =	simm.s32 $0x600;
	s18 =	simm.s32 $0x1;
	s19 =	simm.s32 $0x2  }
0xa: {  	s20 =	simm.s32 $0x3;
	s6 =	sand.u32 $0x1, s6;
	s10 =	sshll.u32 s4, $0x7  }
0xb: {  	[smem:$0x7FF] =	sst s5;
	s8 =	ssub.s32 $0x2, s6;
	s6 =	sshll.u32 s6, $0x6  }
0xc: {  	_ =	strace $0x80000047;
	s11 =	sshrl.u32 s8, $0x1;
	s10 =	sor.u32 s6, s10  }
0xd: {  	s11 =	ssub.s32 s8, s11;
	s12 =	sor.u32 $0x20, s10;
	s6 =	sadd.s32 s7, s10  }
0xe: {  	s8 =	sadd.s32 s9, s10;
	s7 =	sadd.s32 s7, s12;
	s9 =	sadd.s32 s9, s12  }
0xf: {  	s10 =	smax.u32 s11, $0x1;
	s11 =	simm.s32 $0x4;
	s12 =	simm.s32 $0x100  }
.LBB2_1:
0x10: {  	[tilespmem:s5], [sflag:$0x4] =	stream.linear.gather [hbm4b:s6+s5], $0x100, $0x38;
	[tilespmem:$0x680] =	vst v63  }
0x11: {  	_ =	swait.ge [sflag:s11], $0x100  }
0x12: {  	[sflag:s11] =	ssyncset.done $0x0  }
0x13: {  	[sflag:s11] =	ssyncadd.s32 $0xFFFFFF00  }
0x14: {  	[tilespmem:s13], [sflag:$0x1] =	stream.indirect.gather [hbm4b:s2+s12], $0x1, s5, s12, $0xb8;
	[tilespmem:$0x680] =	vst v63  }
0x15: {  	_ = 	snop  }
0x16: {  	[tilespmem:s14], [sflag:$0x1] =	stream.indirect.gather [hbm4b:s3+s12], $0x1, s5, s12, $0xb8;
	[tilespmem:$0x680] =	vst v63  }
0x17: {  	_ = 	snop  }
0x18: {  	[tilespmem:s12], [sflag:$0x4] =	stream.linear.gather [hbm4b:s7+s5], $0x100, $0x38;
	[tilespmem:$0x680] =	vst v63  }
0x19: {  	_ =	swait.ge [sflag:s11], $0x100  }
0x1a: {  	[sflag:s11] =	ssyncset.done $0x0  }
0x1b: {  	[sflag:s11] =	ssyncadd.s32 $0xFFFFFF00  }
0x1c: {  	[tilespmem:s15], [sflag:$0x2] =	stream.indirect.gather [hbm4b:s2+s12], $0x1, s12, s12, $0xb8;
	[tilespmem:$0x680] =	vst v63  }
0x1d: {  	_ = 	snop  }
0x1e: {  	[tilespmem:s16], [sflag:$0x2] =	stream.indirect.gather [hbm4b:s3+s12], $0x1, s12, s12, $0xb8;
	[tilespmem:$0x680] =	vst v63  }
0x1f: {  	_ = 	snop  }
0x20: {  	[tilespmem:s17], [sflag:$0x4] =	stream.linear.gather [hbm4b:s1+s5], $0x80, $0x38;
	[tilespmem:$0x680] =	vst v63  }
0x21: {  	_ =	swait.ge [sflag:s11], $0x80  }
0x22: {  	[sflag:s11] =	ssyncset.done $0x0  }
0x23: {  	[sflag:s11] =	ssyncadd.s32 $0xFFFFFF80  }
0x24: {  	v0 =	vld [tilespmem:$0x600];
	_ =	swait.ge [sflag:s18], $0x100  }
0x25: {  	[sflag:s18] =	ssyncset.done $0x0  }
0x26: {  	[sflag:s18] =	ssyncadd.s32 $0xFFFFFF00  }
0x27: {  	_ =	swait.ge [sflag:s18], $0x100  }
0x28: {  	[sflag:s18] =	ssyncset.done $0x0  }
0x29: {  	[sflag:s18] =	ssyncadd.s32 $0xFFFFFF00  }
0x2a: {  	v1 =	vld [tilespmem:$0x200];
	_ =	sdelay $0x1  }
0x2b: {  	v2 =	vld [tilespmem:$0x400];
	_ =	sdelay $0x2  }
0x2c: {  	v1 =	vsub.f32 v0, v1;
	_ =	sdelay $0x1  }
0x2d: {  	v1 =	vmul.f32 v1, v2;
	_ =	sdelay $0x1  }
0x2e: {  	v1 =	vsub.f32 $0.0e+00, v1;
	_ =	sdelay $0x1  }
0x2f: {  	v1 =	vmul.f32 $1.442695020e+00, v1;
	_ =	sdelay $0x1  }
0x30: {  	v46 =	vld [tilespmem:$0x210];
	(erf) = vpow2.f32 v1;
	_ =	sdelay $0x1  }
0x31: {  	v47 =	vld [tilespmem:$0x410];
	_ =	sdelay $0x2  }
0x32: {  	v1 =	vsub.f32 v0, v46;
	_ =	sdelay $0x1  }
0x33: {  	v1 =	vmul.f32 v1, v47;
	_ =	sdelay $0x1  }
0x34: {  	v1 =	vsub.f32 $0.0e+00, v1;
	v48 =	vpop (erf)  }
0x35: {  	v2 =	vadd.f32 $1.000000000e+00, v48  }
0x36: {  	v1 =	vmul.f32 $1.442695020e+00, v1  }
0x37: {  	(erf) = vrcp.f32 v2  }
0x38: {  	v49 =	vld [tilespmem:$0x220];
	(erf) = vpow2.f32 v1;
	_ =	sdelay $0x1  }
0x39: {  	v50 =	vld [tilespmem:$0x420];
	_ =	sdelay $0x2  }
0x3a: {  	v1 =	vsub.f32 v0, v49;
	_ =	sdelay $0x1  }
0x3b: {  	v2 =	vmul.f32 v1, v50  }
0x3c: {  	v51 =	vpop (erf)  }
0x3d: {  	v2 =	vsub.f32 $0.0e+00, v2;
	v3 =	vpop (erf)  }
0x3e: {  	v3 =	vadd.f32 $1.000000000e+00, v3  }
0x3f: {  	v2 =	vmul.f32 $1.442695020e+00, v2  }
0x40: {  	(erf) = vrcp.f32 v3  }
0x41: {  	v52 =	vld [tilespmem:$0x230];
	(erf) = vpow2.f32 v2;
	_ =	sdelay $0x1  }
0x42: {  	v53 =	vld [tilespmem:$0x430];
	_ =	sdelay $0x2  }
0x43: {  	v2 =	vsub.f32 v0, v52;
	_ =	sdelay $0x1  }
0x44: {  	v3 =	vmul.f32 v2, v53  }
0x45: {  	v54 =	vpop (erf)  }
0x46: {  	v3 =	vsub.f32 $0.0e+00, v3;
	v4 =	vpop (erf)  }
0x47: {  	v4 =	vadd.f32 $1.000000000e+00, v4  }
0x48: {  	v3 =	vmul.f32 $1.442695020e+00, v3  }
0x49: {  	(erf) = vrcp.f32 v4  }
0x4a: {  	v55 =	vld [tilespmem:$0x240];
	(erf) = vpow2.f32 v3;
	_ =	sdelay $0x1  }
0x4b: {  	v56 =	vld [tilespmem:$0x440];
	_ =	sdelay $0x2  }
0x4c: {  	v3 =	vsub.f32 v0, v55;
	_ =	sdelay $0x1  }
0x4d: {  	v4 =	vmul.f32 v3, v56  }
0x4e: {  	v57 =	vpop (erf)  }
0x4f: {  	v4 =	vsub.f32 $0.0e+00, v4;
	v5 =	vpop (erf)  }
0x50: {  	v5 =	vadd.f32 $1.000000000e+00, v5  }
0x51: {  	v4 =	vmul.f32 $1.442695020e+00, v4  }
0x52: {  	(erf) = vrcp.f32 v5  }
0x53: {  	v58 =	vld [tilespmem:$0x250];
	(erf) = vpow2.f32 v4;
	_ =	sdelay $0x1  }
0x54: {  	v59 =	vld [tilespmem:$0x450];
	_ =	sdelay $0x2  }
0x55: {  	v4 =	vsub.f32 v0, v58;
	_ =	sdelay $0x1  }
0x56: {  	v4 =	vmul.f32 v4, v59  }
0x57: {  	v60 =	vpop (erf)  }
0x58: {  	v4 =	vsub.f32 $0.0e+00, v4;
	v6 =	vpop (erf)  }
0x59: {  	v6 =	vadd.f32 $1.000000000e+00, v6  }
0x5a: {  	v4 =	vmul.f32 $1.442695020e+00, v4  }
0x5b: {  	(erf) = vrcp.f32 v6  }
0x5c: {  	v61 =	vld [tilespmem:$0x260];
	(erf) = vpow2.f32 v4;
	_ =	sdelay $0x1  }
0x5d: {  	v62 =	vld [tilespmem:$0x460];
	_ =	sdelay $0x2  }
0x5e: {  	v4 =	vsub.f32 v0, v61;
	_ =	sdelay $0x1  }
0x5f: {  	v4 =	vmul.f32 v4, v62  }
0x60: {  	v63 =	vpop (erf)  }
0x61: {  	v4 =	vsub.f32 $0.0e+00, v4;
	v7 =	vpop (erf)  }
0x62: {  	v7 =	vadd.f32 $1.000000000e+00, v7  }
0x63: {  	v4 =	vmul.f32 $1.442695020e+00, v4  }
0x64: {  	(erf) = vrcp.f32 v7  }
0x65: {  	v20 =	vld [tilespmem:$0x270];
	(erf) = vpow2.f32 v4;
	_ =	sdelay $0x1  }
0x66: {  	v21 =	vld [tilespmem:$0x470];
	_ =	sdelay $0x2  }
0x67: {  	v4 =	vsub.f32 v0, v20;
	_ =	sdelay $0x1  }
0x68: {  	v4 =	vmul.f32 v4, v21  }
0x69: {  	v22 =	vpop (erf)  }
0x6a: {  	v4 =	vsub.f32 $0.0e+00, v4;
	v8 =	vpop (erf)  }
0x6b: {  	v8 =	vadd.f32 $1.000000000e+00, v8  }
0x6c: {  	v4 =	vmul.f32 $1.442695020e+00, v4  }
0x6d: {  	(erf) = vrcp.f32 v8  }
0x6e: {  	v23 =	vld [tilespmem:$0x280];
	(erf) = vpow2.f32 v4;
	_ =	sdelay $0x1  }
0x6f: {  	v24 =	vld [tilespmem:$0x480];
	_ =	sdelay $0x2  }
0x70: {  	v4 =	vsub.f32 v0, v23;
	_ =	sdelay $0x1  }
0x71: {  	v4 =	vmul.f32 v4, v24  }
0x72: {  	v25 =	vpop (erf)  }
0x73: {  	v4 =	vsub.f32 $0.0e+00, v4;
	v9 =	vpop (erf)  }
0x74: {  	v9 =	vadd.f32 $1.000000000e+00, v9  }
0x75: {  	v4 =	vmul.f32 $1.442695020e+00, v4  }
0x76: {  	(erf) = vrcp.f32 v9  }
0x77: {  	v26 =	vld [tilespmem:$0x290];
	(erf) = vpow2.f32 v4;
	_ =	sdelay $0x1  }
0x78: {  	v27 =	vld [tilespmem:$0x490];
	_ =	sdelay $0x2  }
0x79: {  	v4 =	vsub.f32 v0, v26;
	_ =	sdelay $0x1  }
0x7a: {  	v4 =	vmul.f32 v4, v27  }
0x7b: {  	v28 =	vpop (erf)  }
0x7c: {  	v4 =	vsub.f32 $0.0e+00, v4;
	v10 =	vpop (erf)  }
0x7d: {  	v10 =	vadd.f32 $1.000000000e+00, v10  }
0x7e: {  	v4 =	vmul.f32 $1.442695020e+00, v4  }
0x7f: {  	(erf) = vrcp.f32 v10  }
0x80: {  	v29 =	vld [tilespmem:$0x2A0];
	(erf) = vpow2.f32 v4;
	_ =	sdelay $0x1  }
0x81: {  	v30 =	vld [tilespmem:$0x4A0];
	_ =	sdelay $0x2  }
0x82: {  	v4 =	vsub.f32 v0, v29;
	_ =	sdelay $0x1  }
0x83: {  	v4 =	vmul.f32 v4, v30  }
0x84: {  	v31 =	vpop (erf)  }
0x85: {  	v4 =	vsub.f32 $0.0e+00, v4;
	v11 =	vpop (erf)  }
0x86: {  	v11 =	vadd.f32 $1.000000000e+00, v11  }
0x87: {  	v4 =	vmul.f32 $1.442695020e+00, v4  }
0x88: {  	(erf) = vrcp.f32 v11  }
0x89: {  	v32 =	vld [tilespmem:$0x2B0];
	(erf) = vpow2.f32 v4;
	_ =	sdelay $0x1  }
0x8a: {  	v33 =	vld [tilespmem:$0x4B0];
	_ =	sdelay $0x2  }
0x8b: {  	v4 =	vsub.f32 v0, v32;
	_ =	sdelay $0x1  }
0x8c: {  	v4 =	vmul.f32 v4, v33  }
0x8d: {  	v34 =	vpop (erf)  }
0x8e: {  	v4 =	vsub.f32 $0.0e+00, v4;
	v12 =	vpop (erf)  }
0x8f: {  	v12 =	vadd.f32 $1.000000000e+00, v12  }
0x90: {  	v4 =	vmul.f32 $1.442695020e+00, v4  }
0x91: {  	(erf) = vrcp.f32 v12  }
0x92: {  	v35 =	vld [tilespmem:$0x2C0];
	(erf) = vpow2.f32 v4;
	_ =	sdelay $0x1  }
0x93: {  	v36 =	vld [tilespmem:$0x4C0];
	_ =	sdelay $0x2  }
0x94: {  	v4 =	vsub.f32 v0, v35;
	_ =	sdelay $0x1  }
0x95: {  	v4 =	vmul.f32 v4, v36  }
0x96: {  	v37 =	vpop (erf)  }
0x97: {  	v4 =	vsub.f32 $0.0e+00, v4;
	v13 =	vpop (erf)  }
0x98: {  	v13 =	vadd.f32 $1.000000000e+00, v13  }
0x99: {  	v4 =	vmul.f32 $1.442695020e+00, v4  }
0x9a: {  	(erf) = vrcp.f32 v13  }
0x9b: {  	v38 =	vld [tilespmem:$0x2D0];
	(erf) = vpow2.f32 v4;
	_ =	sdelay $0x1  }
0x9c: {  	v39 =	vld [tilespmem:$0x4D0];
	_ =	sdelay $0x2  }
0x9d: {  	v4 =	vsub.f32 v0, v38;
	_ =	sdelay $0x1  }
0x9e: {  	v4 =	vmul.f32 v4, v39  }
0x9f: {  	v40 =	vpop (erf)  }
0xa0: {  	v4 =	vsub.f32 $0.0e+00, v4;
	v14 =	vpop (erf)  }
0xa1: {  	v14 =	vadd.f32 $1.000000000e+00, v14  }
0xa2: {  	v4 =	vmul.f32 $1.442695020e+00, v4  }
0xa3: {  	(erf) = vrcp.f32 v14  }
0xa4: {  	v41 =	vld [tilespmem:$0x2E0];
	(erf) = vpow2.f32 v4;
	_ =	sdelay $0x1  }
0xa5: {  	v42 =	vld [tilespmem:$0x4E0];
	_ =	sdelay $0x2  }
0xa6: {  	v4 =	vsub.f32 v0, v41;
	_ =	sdelay $0x1  }
0xa7: {  	v4 =	vmul.f32 v4, v42  }
0xa8: {  	v43 =	vpop (erf)  }
0xa9: {  	v4 =	vsub.f32 $0.0e+00, v4;
	v15 =	vpop (erf)  }
0xaa: {  	v15 =	vadd.f32 $1.000000000e+00, v15  }
0xab: {  	v4 =	vmul.f32 $1.442695020e+00, v4  }
0xac: {  	(erf) = vrcp.f32 v15  }
0xad: {  	v44 =	vld [tilespmem:$0x2F0];
	(erf) = vpow2.f32 v4;
	_ =	sdelay $0x1  }
0xae: {  	v45 =	vld [tilespmem:$0x4F0];
	_ =	sdelay $0x2  }
0xaf: {  	v4 =	vsub.f32 v0, v44;
	_ =	sdelay $0x1  }
0xb0: {  	v4 =	vmul.f32 v4, v45  }
0xb1: {  	v46 =	vpop (erf)  }
0xb2: {  	v4 =	vsub.f32 $0.0e+00, v4;
	v16 =	vpop (erf)  }
0xb3: {  	v16 =	vadd.f32 $1.000000000e+00, v16  }
0xb4: {  	v4 =	vmul.f32 $1.442695020e+00, v4  }
0xb5: {  	(erf) = vrcp.f32 v16  }
0xb6: {  	(erf) = vpow2.f32 v4;
	_ =	sdelay $0x6  }
0xb7: {  	[tilespmem:$0x200] =	vst v51  }
0xb8: {  	[tilespmem:$0x210] =	vst v54;
	v47 =	vpop (erf)  }
0xb9: {  	[tilespmem:$0x220] =	vst v57;
	v48 =	vpop (erf)  }
0xba: {  	[tilespmem:$0x230] =	vst v60;
	v2 =	vadd.f32 $1.000000000e+00, v48  }
0xbb: {  	[tilespmem:$0x240] =	vst v63  }
0xbc: {  	[tilespmem:$0x250] =	vst v22;
	(erf) = vrcp.f32 v2  }
0xbd: {  	[tilespmem:$0x260] =	vst v25  }
0xbe: {  	[tilespmem:$0x270] =	vst v28  }
0xbf: {  	[tilespmem:$0x280] =	vst v31  }
0xc0: {  	[tilespmem:$0x290] =	vst v34  }
0xc1: {  	[tilespmem:$0x2A0] =	vst v37  }
0xc2: {  	[tilespmem:$0x2B0] =	vst v40  }
0xc3: {  	[tilespmem:$0x2C0] =	vst v43  }
0xc4: {  	[tilespmem:$0x2D0] =	vst v46  }
0xc5: {  	[tilespmem:$0x2E0] =	vst v47;
	v49 =	vpop (erf)  }
0xc6: {  	[tilespmem:$0x2F0] =	vst v49  }
0xc7: {  	[hbm4b:s8+s5] =	stream.linear.scatter [tilespmem:s13], [sflag:$0x3], $0x100, $0x38;
	[tilespmem:$0x680] =	vst v63  }
0xc8: {  	_ =	swait.ge [sflag:s19], $0x100  }
0xc9: {  	[sflag:s19] =	ssyncset.done $0x0  }
0xca: {  	[sflag:s19] =	ssyncadd.s32 $0xFFFFFF00  }
0xcb: {  	_ =	swait.ge [sflag:s19], $0x100  }
0xcc: {  	[sflag:s19] =	ssyncset.done $0x0  }
0xcd: {  	[sflag:s19] =	ssyncadd.s32 $0xFFFFFF00  }
0xce: {  	v50 =	vld [tilespmem:$0x300];
	_ =	sdelay $0x1  }
0xcf: {  	v51 =	vld [tilespmem:$0x500];
	_ =	sdelay $0x2  }
0xd0: {  	v1 =	vsub.f32 v0, v50;
	_ =	sdelay $0x1  }
0xd1: {  	v1 =	vmul.f32 v1, v51;
	_ =	sdelay $0x1  }
0xd2: {  	v1 =	vsub.f32 $0.0e+00, v1;
	_ =	sdelay $0x1  }
0xd3: {  	v1 =	vmul.f32 $1.442695020e+00, v1;
	_ =	sdelay $0x1  }
0xd4: {  	v52 =	vld [tilespmem:$0x310];
	(erf) = vpow2.f32 v1;
	_ =	sdelay $0x1  }
0xd5: {  	v53 =	vld [tilespmem:$0x510];
	_ =	sdelay $0x2  }
0xd6: {  	v1 =	vsub.f32 v0, v52;
	_ =	sdelay $0x1  }
0xd7: {  	v1 =	vmul.f32 v1, v53;
	_ =	sdelay $0x1  }
0xd8: {  	v1 =	vsub.f32 $0.0e+00, v1;
	v54 =	vpop (erf)  }
0xd9: {  	v2 =	vadd.f32 $1.000000000e+00, v54  }
0xda: {  	v1 =	vmul.f32 $1.442695020e+00, v1  }
0xdb: {  	v55 =	vld [tilespmem:$0x320];
	(erf) = vrcp.f32 v2  }
0xdc: {  	(erf) = vpow2.f32 v1;
	_ =	sdelay $0x1  }
0xdd: {  	v56 =	vld [tilespmem:$0x520];
	_ =	sdelay $0x1  }
0xde: {  	v1 =	vsub.f32 v0, v55;
	_ =	sdelay $0x2  }
0xdf: {  	v2 =	vmul.f32 v1, v56  }
0xe0: {  	v1 =	vpop (erf)  }
0xe1: {  	v2 =	vsub.f32 $0.0e+00, v2;
	v57 =	vpop (erf)  }
0xe2: {  	v3 =	vadd.f32 $1.000000000e+00, v57  }
0xe3: {  	v2 =	vmul.f32 $1.442695020e+00, v2  }
0xe4: {  	v58 =	vld [tilespmem:$0x330];
	(erf) = vrcp.f32 v3  }
0xe5: {  	(erf) = vpow2.f32 v2;
	_ =	sdelay $0x1  }
0xe6: {  	v59 =	vld [tilespmem:$0x530];
	_ =	sdelay $0x1  }
0xe7: {  	v2 =	vsub.f32 v0, v58;
	_ =	sdelay $0x2  }
0xe8: {  	v3 =	vmul.f32 v2, v59  }
0xe9: {  	v2 =	vpop (erf)  }
0xea: {  	v3 =	vsub.f32 $0.0e+00, v3;
	v60 =	vpop (erf)  }
0xeb: {  	v4 =	vadd.f32 $1.000000000e+00, v60  }
0xec: {  	v3 =	vmul.f32 $1.442695020e+00, v3  }
0xed: {  	(erf) = vrcp.f32 v4  }
0xee: {  	v61 =	vld [tilespmem:$0x340];
	(erf) = vpow2.f32 v3;
	_ =	sdelay $0x1  }
0xef: {  	v62 =	vld [tilespmem:$0x540];
	_ =	sdelay $0x2  }
0xf0: {  	v3 =	vsub.f32 v0, v61;
	_ =	sdelay $0x1  }
0xf1: {  	v4 =	vmul.f32 v3, v62  }
0xf2: {  	v63 =	vpop (erf)  }
0xf3: {  	v4 =	vsub.f32 $0.0e+00, v4;
	v16 =	vpop (erf)  }
0xf4: {  	v5 =	vadd.f32 $1.000000000e+00, v16  }
0xf5: {  	v4 =	vmul.f32 $1.442695020e+00, v4  }
0xf6: {  	(erf) = vrcp.f32 v5  }
0xf7: {  	v17 =	vld [tilespmem:$0x350];
	(erf) = vpow2.f32 v4;
	_ =	sdelay $0x1  }
0xf8: {  	v18 =	vld [tilespmem:$0x550];
	_ =	sdelay $0x2  }
0xf9: {  	v4 =	vsub.f32 v0, v17;
	_ =	sdelay $0x1  }
0xfa: {  	v4 =	vmul.f32 v4, v18  }
0xfb: {  	v19 =	vpop (erf)  }
0xfc: {  	v4 =	vsub.f32 $0.0e+00, v4;
	v20 =	vpop (erf)  }
0xfd: {  	v6 =	vadd.f32 $1.000000000e+00, v20  }
0xfe: {  	v4 =	vmul.f32 $1.442695020e+00, v4  }
0xff: {  	(erf) = vrcp.f32 v6  }
0x100: {  	v21 =	vld [tilespmem:$0x360];
	(erf) = vpow2.f32 v4;
	_ =	sdelay $0x1  }
0x101: {  	v22 =	vld [tilespmem:$0x560];
	_ =	sdelay $0x2  }
0x102: {  	v4 =	vsub.f32 v0, v21;
	_ =	sdelay $0x1  }
0x103: {  	v4 =	vmul.f32 v4, v22  }
0x104: {  	v23 =	vpop (erf)  }
0x105: {  	v4 =	vsub.f32 $0.0e+00, v4;
	v24 =	vpop (erf)  }
0x106: {  	v7 =	vadd.f32 $1.000000000e+00, v24  }
0x107: {  	v4 =	vmul.f32 $1.442695020e+00, v4  }
0x108: {  	(erf) = vrcp.f32 v7  }
0x109: {  	v25 =	vld [tilespmem:$0x370];
	(erf) = vpow2.f32 v4;
	_ =	sdelay $0x1  }
0x10a: {  	v26 =	vld [tilespmem:$0x570];
	_ =	sdelay $0x2  }
0x10b: {  	v4 =	vsub.f32 v0, v25;
	_ =	sdelay $0x1  }
0x10c: {  	v4 =	vmul.f32 v4, v26  }
0x10d: {  	v27 =	vpop (erf)  }
0x10e: {  	v4 =	vsub.f32 $0.0e+00, v4;
	v28 =	vpop (erf)  }
0x10f: {  	v8 =	vadd.f32 $1.000000000e+00, v28  }
0x110: {  	v4 =	vmul.f32 $1.442695020e+00, v4  }
0x111: {  	(erf) = vrcp.f32 v8  }
0x112: {  	v29 =	vld [tilespmem:$0x380];
	(erf) = vpow2.f32 v4;
	_ =	sdelay $0x1  }
0x113: {  	v30 =	vld [tilespmem:$0x580];
	_ =	sdelay $0x2  }
0x114: {  	v4 =	vsub.f32 v0, v29;
	_ =	sdelay $0x1  }
0x115: {  	v4 =	vmul.f32 v4, v30  }
0x116: {  	v31 =	vpop (erf)  }
0x117: {  	v4 =	vsub.f32 $0.0e+00, v4;
	v32 =	vpop (erf)  }
0x118: {  	v9 =	vadd.f32 $1.000000000e+00, v32  }
0x119: {  	v4 =	vmul.f32 $1.442695020e+00, v4  }
0x11a: {  	(erf) = vrcp.f32 v9  }
0x11b: {  	v33 =	vld [tilespmem:$0x390];
	(erf) = vpow2.f32 v4;
	_ =	sdelay $0x1  }
0x11c: {  	v34 =	vld [tilespmem:$0x590];
	_ =	sdelay $0x2  }
0x11d: {  	v4 =	vsub.f32 v0, v33;
	_ =	sdelay $0x1  }
0x11e: {  	v4 =	vmul.f32 v4, v34  }
0x11f: {  	v35 =	vpop (erf)  }
0x120: {  	v4 =	vsub.f32 $0.0e+00, v4;
	v36 =	vpop (erf)  }
0x121: {  	v10 =	vadd.f32 $1.000000000e+00, v36  }
0x122: {  	v4 =	vmul.f32 $1.442695020e+00, v4  }
0x123: {  	(erf) = vrcp.f32 v10  }
0x124: {  	v37 =	vld [tilespmem:$0x3A0];
	(erf) = vpow2.f32 v4;
	_ =	sdelay $0x1  }
0x125: {  	v38 =	vld [tilespmem:$0x5A0];
	_ =	sdelay $0x2  }
0x126: {  	v4 =	vsub.f32 v0, v37;
	_ =	sdelay $0x1  }
0x127: {  	v4 =	vmul.f32 v4, v38  }
0x128: {  	v39 =	vpop (erf)  }
0x129: {  	v4 =	vsub.f32 $0.0e+00, v4;
	v40 =	vpop (erf)  }
0x12a: {  	v11 =	vadd.f32 $1.000000000e+00, v40  }
0x12b: {  	v4 =	vmul.f32 $1.442695020e+00, v4  }
0x12c: {  	(erf) = vrcp.f32 v11  }
0x12d: {  	v41 =	vld [tilespmem:$0x3B0];
	(erf) = vpow2.f32 v4;
	_ =	sdelay $0x1  }
0x12e: {  	v42 =	vld [tilespmem:$0x5B0];
	_ =	sdelay $0x2  }
0x12f: {  	v4 =	vsub.f32 v0, v41;
	_ =	sdelay $0x1  }
0x130: {  	v4 =	vmul.f32 v4, v42  }
0x131: {  	v43 =	vpop (erf)  }
0x132: {  	v4 =	vsub.f32 $0.0e+00, v4;
	v44 =	vpop (erf)  }
0x133: {  	v12 =	vadd.f32 $1.000000000e+00, v44  }
0x134: {  	v4 =	vmul.f32 $1.442695020e+00, v4  }
0x135: {  	(erf) = vrcp.f32 v12  }
0x136: {  	v45 =	vld [tilespmem:$0x3C0];
	(erf) = vpow2.f32 v4;
	_ =	sdelay $0x1  }
0x137: {  	v46 =	vld [tilespmem:$0x5C0];
	_ =	sdelay $0x2  }
0x138: {  	v4 =	vsub.f32 v0, v45;
	_ =	sdelay $0x1  }
0x139: {  	v4 =	vmul.f32 v4, v46  }
0x13a: {  	v47 =	vpop (erf)  }
0x13b: {  	v4 =	vsub.f32 $0.0e+00, v4;
	v48 =	vpop (erf)  }
0x13c: {  	v13 =	vadd.f32 $1.000000000e+00, v48  }
0x13d: {  	v4 =	vmul.f32 $1.442695020e+00, v4  }
0x13e: {  	(erf) = vrcp.f32 v13  }
0x13f: {  	v49 =	vld [tilespmem:$0x3D0];
	(erf) = vpow2.f32 v4;
	_ =	sdelay $0x1  }
0x140: {  	v50 =	vld [tilespmem:$0x5D0];
	_ =	sdelay $0x2  }
0x141: {  	v4 =	vsub.f32 v0, v49;
	_ =	sdelay $0x1  }
0x142: {  	v4 =	vmul.f32 v4, v50  }
0x143: {  	v51 =	vpop (erf)  }
0x144: {  	v4 =	vsub.f32 $0.0e+00, v4;
	v52 =	vpop (erf)  }
0x145: {  	v14 =	vadd.f32 $1.000000000e+00, v52  }
0x146: {  	v4 =	vmul.f32 $1.442695020e+00, v4  }
0x147: {  	(erf) = vrcp.f32 v14  }
0x148: {  	v53 =	vld [tilespmem:$0x3E0];
	(erf) = vpow2.f32 v4;
	_ =	sdelay $0x1  }
0x149: {  	v54 =	vld [tilespmem:$0x5E0];
	_ =	sdelay $0x2  }
0x14a: {  	v4 =	vsub.f32 v0, v53;
	_ =	sdelay $0x1  }
0x14b: {  	v4 =	vmul.f32 v4, v54  }
0x14c: {  	v55 =	vpop (erf)  }
0x14d: {  	v4 =	vsub.f32 $0.0e+00, v4;
	v56 =	vpop (erf)  }
0x14e: {  	v15 =	vadd.f32 $1.000000000e+00, v56  }
0x14f: {  	v4 =	vmul.f32 $1.442695020e+00, v4  }
0x150: {  	(erf) = vrcp.f32 v15  }
0x151: {  	v57 =	vld [tilespmem:$0x3F0];
	(erf) = vpow2.f32 v4;
	_ =	sdelay $0x1  }
0x152: {  	v58 =	vld [tilespmem:$0x5F0];
	_ =	sdelay $0x2  }
0x153: {  	v0 =	vsub.f32 v0, v57;
	_ =	sdelay $0x1  }
0x154: {  	v0 =	vmul.f32 v0, v58  }
0x155: {  	v59 =	vpop (erf)  }
0x156: {  	v0 =	vsub.f32 $0.0e+00, v0;
	v60 =	vpop (erf)  }
0x157: {  	v15 =	vadd.f32 $1.000000000e+00, v60  }
0x158: {  	v0 =	vmul.f32 $1.442695020e+00, v0  }
0x159: {  	(erf) = vrcp.f32 v15  }
0x15a: {  	(erf) = vpow2.f32 v0;
	_ =	sdelay $0x6  }
0x15b: {  	[tilespmem:$0x300] =	vst v1  }
0x15c: {  	[tilespmem:$0x310] =	vst v2;
	v61 =	vpop (erf)  }
0x15d: {  	[tilespmem:$0x320] =	vst v63;
	v62 =	vpop (erf)  }
0x15e: {  	[tilespmem:$0x330] =	vst v19;
	v1 =	vadd.f32 $1.000000000e+00, v62  }
0x15f: {  	[tilespmem:$0x340] =	vst v23  }
0x160: {  	[tilespmem:$0x350] =	vst v27;
	(erf) = vrcp.f32 v1  }
0x161: {  	[tilespmem:$0x360] =	vst v31  }
0x162: {  	[tilespmem:$0x370] =	vst v35  }
0x163: {  	[tilespmem:$0x380] =	vst v39  }
0x164: {  	[tilespmem:$0x390] =	vst v43  }
0x165: {  	[tilespmem:$0x3A0] =	vst v47  }
0x166: {  	[tilespmem:$0x3B0] =	vst v51  }
0x167: {  	[tilespmem:$0x3C0] =	vst v55  }
0x168: {  	[tilespmem:$0x3D0] =	vst v59  }
0x169: {  	[tilespmem:$0x3E0] =	vst v61;
	v63 =	vpop (erf)  }
0x16a: {  	[tilespmem:$0x3F0] =	vst v63  }
0x16b: {  	[hbm4b:s9+s5] =	stream.linear.scatter [tilespmem:s15], [sflag:$0x3], $0x100, $0x38;
	[tilespmem:$0x680] =	vst v63  }
0x16c: {  	p0 =	sne.s32 s10, $0x1;
	_ =	swait.ge [sflag:s20], $0x100  }
.Ltmp0:
0x16d: {  	[sflag:s20] =	ssyncset.done $0x0;
	(pc) =	sbr.rel @p0 .LBB2_1-.Ltmp0, $4  }
0x16e: {  	[sflag:s20] =	ssyncadd.s32 $0xFFFFFF00  }
0x16f: {  	_ =	swait.ge [sflag:s20], $0x100  }
0x170: {  	[sflag:s20] =	ssyncset.done $0x0  }
0x171: {  	s10 =	sadd.s32 $0xFFFFFFFF, s10;
	[sflag:s20] =	ssyncadd.s32 $0xFFFFFF00  }
0x172: {  	_ =	sfence.sel $0x180000  }
0x173: {  	[bflag:$0x0] =	sbarrier.arrive $0xFFFF  }
0x174: {  	p0 =	sne.s32 s4, $0x0;
	_ =	strace $0x90000047  }
0x175: {  	s0 =	sadd.s32 @!p0 $0x100000, s0;
	[bflag:$0x2] =	sbarrier.arrive $0xFFFF  }
0x176: {  	[sflag:s0] =	ssyncadd.tile.s32 @!p0 $0x1;
	_ =	shalt  }
.Lfunc_end2:
_tile_overlayer_lowered:
.L_overlay_start_2:
0x177: {  	(tag) =	ssettag $0x2  }
0x178: {  	s0 =	rddreg [dreg:$0x0];
	s2 =	stileid.u32  }
0x179: {  	s1 =	rddreg [dreg:$0x1];
	p0 =	sne.s32 s2, $0x0  }
0x17a: {  	s3 =	rddreg [dreg:$0x2];
	[bflag:$0x3] =	sbarrier.arrive $0xFFFF;
	s2 =	simm.s32 @!p0 $0x1C04  }
0x17b: {  	[timem:s3], [sflag:s2] =	dma.local @!p0 [hbm:s0], s1  }
0x17c: {  	s0 =	simm.s32 @!p0 $0x4  }
0x17d: {  	_ =	swait.ge @!p0 [sflag:s0], s1  }
0x17e: {  	s1 =	ssub.s32 @!p0 $0x0, s1;
	[sflag:s0] =	ssyncset.done @!p0 $0x0  }
0x17f: {  	[sflag:s0] =	ssyncadd.s32 @!p0 s1  }
0x180: {  	[bflag:$0x3] =	sbarrier.arrive $0xFFFF  }
0x181: {  	_ =	shalt  }

</sc_bundles>
